<compile_context>
chip_gen: v7x
topology: tpu7x:2x2x1
jax: 0.10.2.dev20260603
libtpu: 0.0.44.dev20260713+nightly
codegen_flags: <defaults>
</compile_context>

<pallas_src>
import functools

import jax
import jax.numpy as jnp
from jax import lax
from jax.experimental import pallas as pl
from jax.experimental.pallas import tpu as pltpu
from jax.experimental.pallas import tpu_sc as plsc

N = 10000
E = 320000
CH = 128
OUT_CH = 64

NS = 16
CHUNK = 128
GS = -(-E // (NS * CHUNK))
EPW = GS * CHUNK
E_PAD = EPW * NS
RPS = 640
NROWS = RPS * NS

_sc_mesh = plsc.VectorSubcoreMesh(
    core_axis_name="c", subcore_axis_name="s", num_cores=1
)


def _sc_degree(edge_chunks, ones_h, zeros_h):
    @functools.partial(
        pl.kernel,
        out_type=jax.ShapeDtypeStruct((NROWS, CH), jnp.float32),
        mesh=_sc_mesh,
        scratch_types=[
            pltpu.VMEM((2, CHUNK), jnp.int32),
            pltpu.VMEM((CHUNK, CH), jnp.float32),
            pltpu.VMEM_SHARED((NROWS, CH), jnp.float32),
        ],
    )
    def deg_kernel(edges_hbm, ones_hbm, zeros_hbm, out_hbm, idx_v, ones_v,
                   acc):
        s = lax.axis_index("s")
        pltpu.sync_copy(ones_hbm, ones_v)
        pltpu.sync_copy(zeros_hbm, acc.at[pl.ds(s * RPS, RPS)])
        plsc.subcore_barrier()

        @pl.loop(0, GS)
        def _(g):
            pltpu.sync_copy(edges_hbm.at[s * GS + g], idx_v)
            pltpu.sync_copy(ones_v, acc.at[idx_v.at[1]], add=True)

        plsc.subcore_barrier()
        pltpu.sync_copy(
            acc.at[pl.ds(s * RPS, RPS)],
            out_hbm.at[pl.ds(s * RPS, RPS)],
        )

    return deg_kernel(edge_chunks, ones_h, zeros_h)


def _sc_spmm(y, edge_chunks, zeros_s):
    @functools.partial(
        pl.kernel,
        out_type=jax.ShapeDtypeStruct((NROWS, CH), jnp.float32),
        mesh=_sc_mesh,
        scratch_types=[
            pltpu.VMEM((2, CHUNK), jnp.int32),
            pltpu.VMEM((CHUNK, CH), jnp.float32),
            pltpu.VMEM_SHARED((NROWS, CH), jnp.float32),
        ],
    )
    def spmm_kernel(y_hbm, edges_hbm, zeros_hbm, out_hbm,
                    idx_v, rows_v, acc):
        s = lax.axis_index("s")
        base0 = s * GS

        pltpu.sync_copy(zeros_hbm, acc.at[pl.ds(s * RPS, RPS)])
        plsc.subcore_barrier()

        @pl.loop(0, GS)
        def _(g):
            pltpu.sync_copy(edges_hbm.at[base0 + g], idx_v)
            pltpu.sync_copy(y_hbm.at[idx_v.at[0]], rows_v)
            pltpu.sync_copy(rows_v, acc.at[idx_v.at[1]], add=True)

        plsc.subcore_barrier()
        pltpu.sync_copy(
            acc.at[pl.ds(s * RPS, RPS)],
            out_hbm.at[pl.ds(s * RPS, RPS)],
        )

    return spmm_kernel(y, edge_chunks, zeros_s)


_RB = 1000
_GRID = N // _RB


def _tc1_body(degs_ref, x_ref, w1_ref, xw_ref, y1_ref, dinv_ref):
    deg = degs_ref[:, 0:1] + 1.0
    dinv = lax.rsqrt(deg)
    xw = jnp.dot(x_ref[...], w1_ref[...], preferred_element_type=jnp.float32)
    xw_ref[...] = xw
    y1_ref[...] = xw * dinv
    dinv_ref[...] = jnp.broadcast_to(dinv, (_RB, CH))


def _tc1(degs, x, W1):
    return pl.pallas_call(
        _tc1_body,
        grid=(_GRID,),
        in_specs=[
            pl.BlockSpec((_RB, CH), lambda i: (i, 0)),
            pl.BlockSpec((_RB, CH), lambda i: (i, 0)),
            pl.BlockSpec((CH, CH), lambda i: (0, 0)),
        ],
        out_specs=[
            pl.BlockSpec((_RB, CH), lambda i: (i, 0)),
            pl.BlockSpec((_RB, CH), lambda i: (i, 0)),
            pl.BlockSpec((_RB, CH), lambda i: (i, 0)),
        ],
        out_shape=[
            jax.ShapeDtypeStruct((N, CH), jnp.float32),
            jax.ShapeDtypeStruct((N, CH), jnp.float32),
            jax.ShapeDtypeStruct((N, CH), jnp.float32),
        ],
    )(degs, x, W1)


def _tc2_body(p_ref, xw_ref, dinv_ref, b1_ref, h_ref, y2_ref):
    dinv = dinv_ref[...]
    z = dinv * p_ref[...] + dinv * dinv * xw_ref[...]
    h = jnp.maximum(z + b1_ref[...], 0.0)
    h_ref[...] = h
    y2_ref[...] = h * dinv


def _tc2(p1, xw, dinvb, b1):
    return pl.pallas_call(
        _tc2_body,
        grid=(_GRID,),
        in_specs=[
            pl.BlockSpec((_RB, CH), lambda i: (i, 0)),
            pl.BlockSpec((_RB, CH), lambda i: (i, 0)),
            pl.BlockSpec((_RB, CH), lambda i: (i, 0)),
            pl.BlockSpec((1, CH), lambda i: (0, 0)),
        ],
        out_specs=[
            pl.BlockSpec((_RB, CH), lambda i: (i, 0)),
            pl.BlockSpec((_RB, CH), lambda i: (i, 0)),
        ],
        out_shape=[
            jax.ShapeDtypeStruct((N, CH), jnp.float32),
            jax.ShapeDtypeStruct((N, CH), jnp.float32),
        ],
    )(p1, xw, dinvb, b1)


def _tc3_body(p_ref, h_ref, dinv_ref, wmu_ref, bmu_ref, wls_ref, bls_ref,
              mu_ref, ls_ref):
    dinv = dinv_ref[...]
    z = dinv * p_ref[...] + dinv * dinv * h_ref[...]
    mu_ref[...] = (
        jnp.dot(z, wmu_ref[...], preferred_element_type=jnp.float32)
        + bmu_ref[...]
    )
    ls_ref[...] = (
        jnp.dot(z, wls_ref[...], preferred_element_type=jnp.float32)
        + bls_ref[...]
    )


def _tc3(p2, h, dinvb, W_mu, b_mu, W_ls, b_ls):
    return pl.pallas_call(
        _tc3_body,
        grid=(_GRID,),
        in_specs=[
            pl.BlockSpec((_RB, CH), lambda i: (i, 0)),
            pl.BlockSpec((_RB, CH), lambda i: (i, 0)),
            pl.BlockSpec((_RB, CH), lambda i: (i, 0)),
            pl.BlockSpec((CH, OUT_CH), lambda i: (0, 0)),
            pl.BlockSpec((1, OUT_CH), lambda i: (0, 0)),
            pl.BlockSpec((CH, OUT_CH), lambda i: (0, 0)),
            pl.BlockSpec((1, OUT_CH), lambda i: (0, 0)),
        ],
        out_specs=[
            pl.BlockSpec((_RB, OUT_CH), lambda i: (i, 0)),
            pl.BlockSpec((_RB, OUT_CH), lambda i: (i, 0)),
        ],
        out_shape=[
            jax.ShapeDtypeStruct((N, OUT_CH), jnp.float32),
            jax.ShapeDtypeStruct((N, OUT_CH), jnp.float32),
        ],
    )(p2, h, dinvb, W_mu, b_mu, W_ls, b_ls)


def kernel(x, edge_index, W1, b1, W_mu, b_mu, W_ls, b_ls):
    src = edge_index[0].astype(jnp.int32)
    dst = edge_index[1].astype(jnp.int32)
    pad = E_PAD - E
    src_p = jnp.concatenate([src, jnp.zeros((pad,), jnp.int32)])
    dst_p = jnp.concatenate([dst, jnp.full((pad,), N, jnp.int32)])
    edge_chunks = jnp.stack(
        [src_p.reshape(NS * GS, CHUNK), dst_p.reshape(NS * GS, CHUNK)], axis=1
    )

    ones_h = jnp.ones((CHUNK, CH), jnp.float32)
    zeros_s = jnp.zeros((RPS, CH), jnp.float32)
    zeros_h = zeros_s

    degs = _sc_degree(edge_chunks, ones_h, zeros_h)
    xw, y1, dinvb = _tc1(degs[:N], x, W1)
    p1 = _sc_spmm(y1, edge_chunks, zeros_s)
    h, y2 = _tc2(p1[:N], xw, dinvb, b1.reshape(1, CH))
    p2 = _sc_spmm(y2, edge_chunks, zeros_s)
    mu, ls = _tc3(p2[:N], h, dinvb, W_mu, b_mu.reshape(1, OUT_CH),
                  W_ls, b_ls.reshape(1, OUT_CH))
    return (mu, ls)

# --- scband reference (transcript-rebuilt; emitter-appended) ---
"""Pipeline reference for scband-variational-gcnencoder-2362232012936 (READ-ONLY COPY).

The authoritative reference and input builder live on the scoring server;
editing this copy changes nothing except your own understanding.
"""

import jax, jax.numpy as jnp
import numpy as np

N_NODES = 10000
N_EDGES = 320000
IN_CH = 128
HID_CH = 128
OUT_CH = 64


def _glorot(key, shape):
    fan_in, fan_out = shape
    limit = np.sqrt(6.0 / (fan_in + fan_out))
    return jax.random.uniform(key, shape, dtype=jnp.float32, minval=-limit, maxval=limit)


def setup_inputs(seed: int = 0) -> dict:
    key = jax.random.key(seed)
    k_x, k_e, k1, k2, k3 = jax.random.split(key, 5)
    x = jax.random.normal(k_x, (N_NODES, IN_CH), dtype=jnp.float32)
    edge_index = jax.random.randint(k_e, (2, N_EDGES), 0, N_NODES, dtype=jnp.int64)
    W1 = _glorot(k1, (IN_CH, HID_CH))
    b1 = jnp.zeros((HID_CH,), dtype=jnp.float32)
    W_mu = _glorot(k2, (HID_CH, OUT_CH))
    b_mu = jnp.zeros((OUT_CH,), dtype=jnp.float32)
    W_ls = _glorot(k3, (HID_CH, OUT_CH))
    b_ls = jnp.zeros((OUT_CH,), dtype=jnp.float32)
    return {"x": x, "edge_index": edge_index, "W1": W1, "b1": b1,
            "W_mu": W_mu, "b_mu": b_mu, "W_ls": W_ls, "b_ls": b_ls}


def _gcn_conv(x, edge_index, W, b):
    # PyG GCNConv: add self-loops, symmetric normalization D^-1/2 A D^-1/2,
    # linear transform, message = norm * x_j, aggregate by sum, add bias.
    N = x.shape[0]
    loop = jnp.arange(N, dtype=edge_index.dtype)
    src = jnp.concatenate([edge_index[0], loop])
    dst = jnp.concatenate([edge_index[1], loop])
    deg = jnp.zeros((N,), dtype=x.dtype).at[dst].add(jnp.ones_like(dst, dtype=x.dtype))
    deg_inv_sqrt = jnp.where(deg > 0, 1.0 / jnp.sqrt(deg), 0.0)
    norm = deg_inv_sqrt[src] * deg_inv_sqrt[dst]
    h = x @ W
    msg = h[src] * norm[:, None]
    out = jnp.zeros((N, W.shape[1]), dtype=x.dtype).at[dst].add(msg)
    return out + b


def reference(x, edge_index, W1, b1, W_mu, b_mu, W_ls, b_ls):
    h = jax.nn.relu(_gcn_conv(x, edge_index, W1, b1))
    mu = _gcn_conv(h, edge_index, W_mu, b_mu)
    logstd = _gcn_conv(h, edge_index, W_ls, b_ls)
    return (mu, logstd)

if __name__ == "__main__":
    import jax
    _d = setup_inputs()
    print(jax.jit(kernel)(*tuple(_d.values())))

</pallas_src>

<mosaic_0001>
#map = affine_map<(d0, d1) -> (0, 0)>
#map1 = affine_map<(d0, d1) -> (0, 0, 0)>
module attributes {stable_mosaic.version = 14 : i64} {
  func.func @spmm_kernel(%arg0: i32, %arg1: i32, %arg2: memref<10000x128xf32, #tpu.memory_space<hbm>>, %arg3: memref<2512x2x128xi32, #tpu.memory_space<hbm>>, %arg4: memref<640x128xf32, #tpu.memory_space<hbm>>, %arg5: memref<10240x128xf32, #tpu.memory_space<hbm>>, %arg6: memref<2x128xi32, #tpu.memory_space<vmem>>, %arg7: memref<128x128xf32, #tpu.memory_space<vmem>>, %arg8: memref<10240x128xf32, #tpu.memory_space<vmem_shared>>) attributes {dimension_semantics = [#tpu.dimension_semantics<core_parallel>, #tpu.dimension_semantics<subcore_parallel>], iteration_bounds = array<i64: 1, 16>, scalar_prefetch = 0 : i64, scratch_operands = 3 : i64, tpu.core_type = #tpu.core_type<sc_vector_subcore>, window_params = [{transform_indices = #map}, {transform_indices = #map1}, {transform_indices = #map}, {transform_indices = #map}]} {
    %mul3A = arith.constant 157 : i32
    %mul3A_0 = arith.muli %arg1, %mul3A : i32
    %mul3A_1 = arith.constant 640 : i32
    %mul3A_2 = arith.muli %arg1, %mul3A_1 : i32
    "tpu.region"() ({
      %run_scoped3A = tpu.sem_alloc : memref<!tpu.dma_semaphore, #tpu.memory_space<semaphore_mem>>
      %dma_start3A = arith.constant 0 : i32
      %dma_start3A_12 = tpu.memref_slice %arg8[%mul3A_2, %dma_start3A] : memref<10240x128xf32, #tpu.memory_space<vmem_shared>> -> memref<640x128xf32, #tpu.memory_space<vmem_shared>>
      tpu.enqueue_dma source(%arg4 : memref<640x128xf32, #tpu.memory_space<hbm>>) target(%dma_start3A_12 : memref<640x128xf32, #tpu.memory_space<vmem_shared>>) target_semaphore(%run_scoped3A : memref<!tpu.dma_semaphore, #tpu.memory_space<semaphore_mem>>)
      %dma_wait3A = arith.constant 0 : i32
      %dma_wait3A_13 = tpu.memref_slice %arg8[%mul3A_2, %dma_wait3A] : memref<10240x128xf32, #tpu.memory_space<vmem_shared>> -> memref<640x128xf32, #tpu.memory_space<vmem_shared>>
      tpu.wait_dma2 semaphore(%run_scoped3A : memref<!tpu.dma_semaphore, #tpu.memory_space<semaphore_mem>>) src(%arg4 : memref<640x128xf32, #tpu.memory_space<hbm>>) dst(%dma_wait3A_13 : memref<640x128xf32, #tpu.memory_space<vmem_shared>>)
      tpu.yield
    }) : () -> ()
    %barrier3A = arith.constant 0 : index
    tpu.barrier barrier_id(%barrier3A)
    %scan3A = arith.constant 0 : i32
    %scan3A_3 = arith.constant 157 : i32
    %scan3A_4 = arith.addi %scan3A, %scan3A_3 : i32
    %scan3A_5 = arith.constant 1 : i32
    scf.for %scan3A_12 = %scan3A to %scan3A_4 step %scan3A_5  : i32 {
      %mul3A_13 = arith.constant 1 : i32
      %mul3A_14 = arith.muli %scan3A_12, %mul3A_13 : i32
      %add3A = arith.constant 0 : i32
      %add3A_15 = arith.addi %add3A, %mul3A_14 : i32
      %add3A_16 = arith.addi %mul3A_0, %add3A_15 : i32
      "tpu.region"() ({
        %run_scoped3A_18 = tpu.sem_alloc : memref<!tpu.dma_semaphore, #tpu.memory_space<semaphore_mem>>
        %dma_start3A = arith.constant 0 : i32
        %dma_start3A_19 = arith.constant 0 : i32
        %dma_start3A_20 = tpu.memref_slice %arg3[%add3A_16, %dma_start3A, %dma_start3A_19] : memref<2512x2x128xi32, #tpu.memory_space<hbm>> -> memref<1x2x128xi32, #tpu.memory_space<hbm>>
        %dma_start3A_21 = tpu.memref_squeeze %dma_start3A_20 : memref<1x2x128xi32, #tpu.memory_space<hbm>> -> memref<2x128xi32, #tpu.memory_space<hbm>>
        %dma_start3A_22 = arith.constant 0 : i32
        %dma_start3A_23 = arith.constant 0 : i32
        %dma_start3A_24 = tpu.memref_slice %arg3[%add3A_16, %dma_start3A_22, %dma_start3A_23] : memref<2512x2x128xi32, #tpu.memory_space<hbm>> -> memref<1x2x128xi32, #tpu.memory_space<hbm>>
        %dma_start3A_25 = tpu.memref_squeeze %dma_start3A_24 : memref<1x2x128xi32, #tpu.memory_space<hbm>> -> memref<2x128xi32, #tpu.memory_space<hbm>>
        tpu.enqueue_dma source(%dma_start3A_25 : memref<2x128xi32, #tpu.memory_space<hbm>>) target(%arg6 : memref<2x128xi32, #tpu.memory_space<vmem>>) target_semaphore(%run_scoped3A_18 : memref<!tpu.dma_semaphore, #tpu.memory_space<semaphore_mem>>)
        %dma_wait3A = arith.constant 0 : i32
        %dma_wait3A_26 = arith.constant 0 : i32
        %dma_wait3A_27 = tpu.memref_slice %arg3[%add3A_16, %dma_wait3A, %dma_wait3A_26] : memref<2512x2x128xi32, #tpu.memory_space<hbm>> -> memref<1x2x128xi32, #tpu.memory_space<hbm>>
        %dma_wait3A_28 = tpu.memref_squeeze %dma_wait3A_27 : memref<1x2x128xi32, #tpu.memory_space<hbm>> -> memref<2x128xi32, #tpu.memory_space<hbm>>
        %dma_wait3A_29 = arith.constant 0 : i32
        %dma_wait3A_30 = arith.constant 0 : i32
        %dma_wait3A_31 = tpu.memref_slice %arg3[%add3A_16, %dma_wait3A_29, %dma_wait3A_30] : memref<2512x2x128xi32, #tpu.memory_space<hbm>> -> memref<1x2x128xi32, #tpu.memory_space<hbm>>
        %dma_wait3A_32 = tpu.memref_squeeze %dma_wait3A_31 : memref<1x2x128xi32, #tpu.memory_space<hbm>> -> memref<2x128xi32, #tpu.memory_space<hbm>>
        tpu.wait_dma2 semaphore(%run_scoped3A_18 : memref<!tpu.dma_semaphore, #tpu.memory_space<semaphore_mem>>) src(%dma_wait3A_32 : memref<2x128xi32, #tpu.memory_space<hbm>>) dst(%arg6 : memref<2x128xi32, #tpu.memory_space<vmem>>)
        tpu.yield
      }) : () -> ()
      %run_scoped3A = arith.constant 0 : i32
      "tpu.region"() ({
        %run_scoped3A_18 = tpu.sem_alloc : memref<!tpu.dma_semaphore, #tpu.memory_space<semaphore_mem>>
        %dma_start3A = arith.constant 0 : i32
        %dma_start3A_19 = tpu.memref_slice %arg6[%run_scoped3A, %dma_start3A] : memref<2x128xi32, #tpu.memory_space<vmem>> -> memref<1x128xi32, #tpu.memory_space<vmem>>
        %dma_start3A_20 = tpu.memref_squeeze %dma_start3A_19 : memref<1x128xi32, #tpu.memory_space<vmem>> -> memref<128xi32, #tpu.memory_space<vmem>>
        %dma_start3A_21 = arith.constant 0 : i32
        %dma_start3A_22 = arith.constant 0 : i32
        %dma_start3A_23 = tpu.memref_slice %arg2[%dma_start3A_21, %dma_start3A_22] : memref<10000x128xf32, #tpu.memory_space<hbm>> -> memref<10000x128xf32, #tpu.memory_space<hbm>>
        tpu.enqueue_indirect_dma source(%dma_start3A_23 : memref<10000x128xf32, #tpu.memory_space<hbm>>) target(%arg7 : memref<128x128xf32, #tpu.memory_space<vmem>>) offsets(%dma_start3A_20 : memref<128xi32, #tpu.memory_space<vmem>>) semaphore(%run_scoped3A_18 : memref<!tpu.dma_semaphore, #tpu.memory_space<semaphore_mem>>)
        %dma_wait3A = arith.constant 0 : i32
        %dma_wait3A_24 = tpu.memref_slice %arg6[%run_scoped3A, %dma_wait3A] : memref<2x128xi32, #tpu.memory_space<vmem>> -> memref<1x128xi32, #tpu.memory_space<vmem>>
        %dma_wait3A_25 = tpu.memref_squeeze %dma_wait3A_24 : memref<1x128xi32, #tpu.memory_space<vmem>> -> memref<128xi32, #tpu.memory_space<vmem>>
        %dma_wait3A_26 = arith.constant 0 : i32
        %dma_wait3A_27 = arith.constant 0 : i32
        %dma_wait3A_28 = tpu.memref_slice %arg2[%dma_wait3A_26, %dma_wait3A_27] : memref<10000x128xf32, #tpu.memory_space<hbm>> -> memref<10000x128xf32, #tpu.memory_space<hbm>>
        tpu.wait_indirect_dma semaphore(%run_scoped3A_18 : memref<!tpu.dma_semaphore, #tpu.memory_space<semaphore_mem>>) src(%dma_wait3A_28 : memref<10000x128xf32, #tpu.memory_space<hbm>>) dst(%arg7 : memref<128x128xf32, #tpu.memory_space<vmem>>)
        tpu.yield
      }) : () -> ()
      %run_scoped3A_17 = arith.constant 1 : i32
      "tpu.region"() ({
        %run_scoped3A_18 = tpu.sem_alloc : memref<!tpu.dma_semaphore, #tpu.memory_space<semaphore_mem>>
        %dma_start3A = arith.constant 0 : i32
        %dma_start3A_19 = tpu.memref_slice %arg6[%run_scoped3A_17, %dma_start3A] : memref<2x128xi32, #tpu.memory_space<vmem>> -> memref<1x128xi32, #tpu.memory_space<vmem>>
        %dma_start3A_20 = tpu.memref_squeeze %dma_start3A_19 : memref<1x128xi32, #tpu.memory_space<vmem>> -> memref<128xi32, #tpu.memory_space<vmem>>
        %dma_start3A_21 = arith.constant 0 : i32
        %dma_start3A_22 = arith.constant 0 : i32
        %dma_start3A_23 = tpu.memref_slice %arg8[%dma_start3A_21, %dma_start3A_22] : memref<10240x128xf32, #tpu.memory_space<vmem_shared>> -> memref<10240x128xf32, #tpu.memory_space<vmem_shared>>
        tpu.enqueue_indirect_dma source(%arg7 : memref<128x128xf32, #tpu.memory_space<vmem>>) target(%dma_start3A_23 : memref<10240x128xf32, #tpu.memory_space<vmem_shared>>) offsets(%dma_start3A_20 : memref<128xi32, #tpu.memory_space<vmem>>) semaphore(%run_scoped3A_18 : memref<!tpu.dma_semaphore, #tpu.memory_space<semaphore_mem>>) {add = true}
        %dma_wait3A = arith.constant 0 : i32
        %dma_wait3A_24 = tpu.memref_slice %arg6[%run_scoped3A_17, %dma_wait3A] : memref<2x128xi32, #tpu.memory_space<vmem>> -> memref<1x128xi32, #tpu.memory_space<vmem>>
        %dma_wait3A_25 = tpu.memref_squeeze %dma_wait3A_24 : memref<1x128xi32, #tpu.memory_space<vmem>> -> memref<128xi32, #tpu.memory_space<vmem>>
        %dma_wait3A_26 = arith.constant 0 : i32
        %dma_wait3A_27 = arith.constant 0 : i32
        %dma_wait3A_28 = tpu.memref_slice %arg8[%dma_wait3A_26, %dma_wait3A_27] : memref<10240x128xf32, #tpu.memory_space<vmem_shared>> -> memref<10240x128xf32, #tpu.memory_space<vmem_shared>>
        tpu.wait_indirect_dma semaphore(%run_scoped3A_18 : memref<!tpu.dma_semaphore, #tpu.memory_space<semaphore_mem>>) src(%arg7 : memref<128x128xf32, #tpu.memory_space<vmem>>) dst(%dma_wait3A_28 : memref<10240x128xf32, #tpu.memory_space<vmem_shared>>)
        tpu.yield
      }) : () -> ()
    }
    %scan3A_6 = arith.constant 157 : i32
    %barrier3A_7 = arith.constant 0 : index
    tpu.barrier barrier_id(%barrier3A_7)
    %mul3A_8 = arith.constant 640 : i32
    %mul3A_9 = arith.muli %arg1, %mul3A_8 : i32
    %mul3A_10 = arith.constant 640 : i32
    %mul3A_11 = arith.muli %arg1, %mul3A_10 : i32
    "tpu.region"() ({
      %run_scoped3A = tpu.sem_alloc : memref<!tpu.dma_semaphore, #tpu.memory_space<semaphore_mem>>
      %dma_start3A = arith.constant 0 : i32
      %dma_start3A_12 = tpu.memref_slice %arg5[%mul3A_11, %dma_start3A] : memref<10240x128xf32, #tpu.memory_space<hbm>> -> memref<640x128xf32, #tpu.memory_space<hbm>>
      %dma_start3A_13 = arith.constant 0 : i32
      %dma_start3A_14 = tpu.memref_slice %arg8[%mul3A_9, %dma_start3A_13] : memref<10240x128xf32, #tpu.memory_space<vmem_shared>> -> memref<640x128xf32, #tpu.memory_space<vmem_shared>>
      tpu.enqueue_dma source(%dma_start3A_14 : memref<640x128xf32, #tpu.memory_space<vmem_shared>>) target(%dma_start3A_12 : memref<640x128xf32, #tpu.memory_space<hbm>>) target_semaphore(%run_scoped3A : memref<!tpu.dma_semaphore, #tpu.memory_space<semaphore_mem>>)
      %dma_wait3A = arith.constant 0 : i32
      %dma_wait3A_15 = tpu.memref_slice %arg5[%mul3A_11, %dma_wait3A] : memref<10240x128xf32, #tpu.memory_space<hbm>> -> memref<640x128xf32, #tpu.memory_space<hbm>>
      %dma_wait3A_16 = arith.constant 0 : i32
      %dma_wait3A_17 = tpu.memref_slice %arg8[%mul3A_9, %dma_wait3A_16] : memref<10240x128xf32, #tpu.memory_space<vmem_shared>> -> memref<640x128xf32, #tpu.memory_space<vmem_shared>>
      tpu.wait_dma2 semaphore(%run_scoped3A : memref<!tpu.dma_semaphore, #tpu.memory_space<semaphore_mem>>) src(%dma_wait3A_17 : memref<640x128xf32, #tpu.memory_space<vmem_shared>>) dst(%dma_wait3A_15 : memref<640x128xf32, #tpu.memory_space<hbm>>)
      tpu.yield
    }) : () -> ()
    return
  }
}

#map = affine_map<(d0, d1) -> (0, 0, 0)>
#map1 = affine_map<(d0, d1) -> (0, 0)>
module attributes {stable_mosaic.version = 14 : i64} {
  func.func @deg_kernel(%arg0: i32, %arg1: i32, %arg2: memref<2512x2x128xi32, #tpu.memory_space<hbm>>, %arg3: memref<128x128xf32, #tpu.memory_space<hbm>>, %arg4: memref<640x128xf32, #tpu.memory_space<hbm>>, %arg5: memref<10240x128xf32, #tpu.memory_space<hbm>>, %arg6: memref<2x128xi32, #tpu.memory_space<vmem>>, %arg7: memref<128x128xf32, #tpu.memory_space<vmem>>, %arg8: memref<10240x128xf32, #tpu.memory_space<vmem_shared>>) attributes {dimension_semantics = [#tpu.dimension_semantics<core_parallel>, #tpu.dimension_semantics<subcore_parallel>], iteration_bounds = array<i64: 1, 16>, scalar_prefetch = 0 : i64, scratch_operands = 3 : i64, tpu.core_type = #tpu.core_type<sc_vector_subcore>, window_params = [{transform_indices = #map}, {transform_indices = #map1}, {transform_indices = #map1}, {transform_indices = #map1}]} {
    "tpu.region"() ({
      %run_scoped3A = tpu.sem_alloc : memref<!tpu.dma_semaphore, #tpu.memory_space<semaphore_mem>>
      tpu.enqueue_dma source(%arg3 : memref<128x128xf32, #tpu.memory_space<hbm>>) target(%arg7 : memref<128x128xf32, #tpu.memory_space<vmem>>) target_semaphore(%run_scoped3A : memref<!tpu.dma_semaphore, #tpu.memory_space<semaphore_mem>>)
      tpu.wait_dma2 semaphore(%run_scoped3A : memref<!tpu.dma_semaphore, #tpu.memory_space<semaphore_mem>>) src(%arg3 : memref<128x128xf32, #tpu.memory_space<hbm>>) dst(%arg7 : memref<128x128xf32, #tpu.memory_space<vmem>>)
      tpu.yield
    }) : () -> ()
    %mul3A = arith.constant 640 : i32
    %mul3A_0 = arith.muli %arg1, %mul3A : i32
    "tpu.region"() ({
      %run_scoped3A = tpu.sem_alloc : memref<!tpu.dma_semaphore, #tpu.memory_space<semaphore_mem>>
      %dma_start3A = arith.constant 0 : i32
      %dma_start3A_10 = tpu.memref_slice %arg8[%mul3A_0, %dma_start3A] : memref<10240x128xf32, #tpu.memory_space<vmem_shared>> -> memref<640x128xf32, #tpu.memory_space<vmem_shared>>
      tpu.enqueue_dma source(%arg4 : memref<640x128xf32, #tpu.memory_space<hbm>>) target(%dma_start3A_10 : memref<640x128xf32, #tpu.memory_space<vmem_shared>>) target_semaphore(%run_scoped3A : memref<!tpu.dma_semaphore, #tpu.memory_space<semaphore_mem>>)
      %dma_wait3A = arith.constant 0 : i32
      %dma_wait3A_11 = tpu.memref_slice %arg8[%mul3A_0, %dma_wait3A] : memref<10240x128xf32, #tpu.memory_space<vmem_shared>> -> memref<640x128xf32, #tpu.memory_space<vmem_shared>>
      tpu.wait_dma2 semaphore(%run_scoped3A : memref<!tpu.dma_semaphore, #tpu.memory_space<semaphore_mem>>) src(%arg4 : memref<640x128xf32, #tpu.memory_space<hbm>>) dst(%dma_wait3A_11 : memref<640x128xf32, #tpu.memory_space<vmem_shared>>)
      tpu.yield
    }) : () -> ()
    %barrier3A = arith.constant 0 : index
    tpu.barrier barrier_id(%barrier3A)
    %scan3A = arith.constant 0 : i32
    %scan3A_1 = arith.constant 157 : i32
    %scan3A_2 = arith.addi %scan3A, %scan3A_1 : i32
    %scan3A_3 = arith.constant 1 : i32
    scf.for %scan3A_10 = %scan3A to %scan3A_2 step %scan3A_3  : i32 {
      %mul3A_11 = arith.constant 1 : i32
      %mul3A_12 = arith.muli %scan3A_10, %mul3A_11 : i32
      %add3A = arith.constant 0 : i32
      %add3A_13 = arith.addi %add3A, %mul3A_12 : i32
      %mul3A_14 = arith.constant 157 : i32
      %mul3A_15 = arith.muli %arg1, %mul3A_14 : i32
      %add3A_16 = arith.addi %mul3A_15, %add3A_13 : i32
      "tpu.region"() ({
        %run_scoped3A_17 = tpu.sem_alloc : memref<!tpu.dma_semaphore, #tpu.memory_space<semaphore_mem>>
        %dma_start3A = arith.constant 0 : i32
        %dma_start3A_18 = arith.constant 0 : i32
        %dma_start3A_19 = tpu.memref_slice %arg2[%add3A_16, %dma_start3A, %dma_start3A_18] : memref<2512x2x128xi32, #tpu.memory_space<hbm>> -> memref<1x2x128xi32, #tpu.memory_space<hbm>>
        %dma_start3A_20 = tpu.memref_squeeze %dma_start3A_19 : memref<1x2x128xi32, #tpu.memory_space<hbm>> -> memref<2x128xi32, #tpu.memory_space<hbm>>
        %dma_start3A_21 = arith.constant 0 : i32
        %dma_start3A_22 = arith.constant 0 : i32
        %dma_start3A_23 = tpu.memref_slice %arg2[%add3A_16, %dma_start3A_21, %dma_start3A_22] : memref<2512x2x128xi32, #tpu.memory_space<hbm>> -> memref<1x2x128xi32, #tpu.memory_space<hbm>>
        %dma_start3A_24 = tpu.memref_squeeze %dma_start3A_23 : memref<1x2x128xi32, #tpu.memory_space<hbm>> -> memref<2x128xi32, #tpu.memory_space<hbm>>
        tpu.enqueue_dma source(%dma_start3A_24 : memref<2x128xi32, #tpu.memory_space<hbm>>) target(%arg6 : memref<2x128xi32, #tpu.memory_space<vmem>>) target_semaphore(%run_scoped3A_17 : memref<!tpu.dma_semaphore, #tpu.memory_space<semaphore_mem>>)
        %dma_wait3A = arith.constant 0 : i32
        %dma_wait3A_25 = arith.constant 0 : i32
        %dma_wait3A_26 = tpu.memref_slice %arg2[%add3A_16, %dma_wait3A, %dma_wait3A_25] : memref<2512x2x128xi32, #tpu.memory_space<hbm>> -> memref<1x2x128xi32, #tpu.memory_space<hbm>>
        %dma_wait3A_27 = tpu.memref_squeeze %dma_wait3A_26 : memref<1x2x128xi32, #tpu.memory_space<hbm>> -> memref<2x128xi32, #tpu.memory_space<hbm>>
        %dma_wait3A_28 = arith.constant 0 : i32
        %dma_wait3A_29 = arith.constant 0 : i32
        %dma_wait3A_30 = tpu.memref_slice %arg2[%add3A_16, %dma_wait3A_28, %dma_wait3A_29] : memref<2512x2x128xi32, #tpu.memory_space<hbm>> -> memref<1x2x128xi32, #tpu.memory_space<hbm>>
        %dma_wait3A_31 = tpu.memref_squeeze %dma_wait3A_30 : memref<1x2x128xi32, #tpu.memory_space<hbm>> -> memref<2x128xi32, #tpu.memory_space<hbm>>
        tpu.wait_dma2 semaphore(%run_scoped3A_17 : memref<!tpu.dma_semaphore, #tpu.memory_space<semaphore_mem>>) src(%dma_wait3A_31 : memref<2x128xi32, #tpu.memory_space<hbm>>) dst(%arg6 : memref<2x128xi32, #tpu.memory_space<vmem>>)
        tpu.yield
      }) : () -> ()
      %run_scoped3A = arith.constant 1 : i32
      "tpu.region"() ({
        %run_scoped3A_17 = tpu.sem_alloc : memref<!tpu.dma_semaphore, #tpu.memory_space<semaphore_mem>>
        %dma_start3A = arith.constant 0 : i32
        %dma_start3A_18 = tpu.memref_slice %arg6[%run_scoped3A, %dma_start3A] : memref<2x128xi32, #tpu.memory_space<vmem>> -> memref<1x128xi32, #tpu.memory_space<vmem>>
        %dma_start3A_19 = tpu.memref_squeeze %dma_start3A_18 : memref<1x128xi32, #tpu.memory_space<vmem>> -> memref<128xi32, #tpu.memory_space<vmem>>
        %dma_start3A_20 = arith.constant 0 : i32
        %dma_start3A_21 = arith.constant 0 : i32
        %dma_start3A_22 = tpu.memref_slice %arg8[%dma_start3A_20, %dma_start3A_21] : memref<10240x128xf32, #tpu.memory_space<vmem_shared>> -> memref<10240x128xf32, #tpu.memory_space<vmem_shared>>
        tpu.enqueue_indirect_dma source(%arg7 : memref<128x128xf32, #tpu.memory_space<vmem>>) target(%dma_start3A_22 : memref<10240x128xf32, #tpu.memory_space<vmem_shared>>) offsets(%dma_start3A_19 : memref<128xi32, #tpu.memory_space<vmem>>) semaphore(%run_scoped3A_17 : memref<!tpu.dma_semaphore, #tpu.memory_space<semaphore_mem>>) {add = true}
        %dma_wait3A = arith.constant 0 : i32
        %dma_wait3A_23 = tpu.memref_slice %arg6[%run_scoped3A, %dma_wait3A] : memref<2x128xi32, #tpu.memory_space<vmem>> -> memref<1x128xi32, #tpu.memory_space<vmem>>
        %dma_wait3A_24 = tpu.memref_squeeze %dma_wait3A_23 : memref<1x128xi32, #tpu.memory_space<vmem>> -> memref<128xi32, #tpu.memory_space<vmem>>
        %dma_wait3A_25 = arith.constant 0 : i32
        %dma_wait3A_26 = arith.constant 0 : i32
        %dma_wait3A_27 = tpu.memref_slice %arg8[%dma_wait3A_25, %dma_wait3A_26] : memref<10240x128xf32, #tpu.memory_space<vmem_shared>> -> memref<10240x128xf32, #tpu.memory_space<vmem_shared>>
        tpu.wait_indirect_dma semaphore(%run_scoped3A_17 : memref<!tpu.dma_semaphore, #tpu.memory_space<semaphore_mem>>) src(%arg7 : memref<128x128xf32, #tpu.memory_space<vmem>>) dst(%dma_wait3A_27 : memref<10240x128xf32, #tpu.memory_space<vmem_shared>>)
        tpu.yield
      }) : () -> ()
    }
    %scan3A_4 = arith.constant 157 : i32
    %barrier3A_5 = arith.constant 0 : index
    tpu.barrier barrier_id(%barrier3A_5)
    %mul3A_6 = arith.constant 640 : i32
    %mul3A_7 = arith.muli %arg1, %mul3A_6 : i32
    %mul3A_8 = arith.constant 640 : i32
    %mul3A_9 = arith.muli %arg1, %mul3A_8 : i32
    "tpu.region"() ({
      %run_scoped3A = tpu.sem_alloc : memref<!tpu.dma_semaphore, #tpu.memory_space<semaphore_mem>>
      %dma_start3A = arith.constant 0 : i32
      %dma_start3A_10 = tpu.memref_slice %arg5[%mul3A_9, %dma_start3A] : memref<10240x128xf32, #tpu.memory_space<hbm>> -> memref<640x128xf32, #tpu.memory_space<hbm>>
      %dma_start3A_11 = arith.constant 0 : i32
      %dma_start3A_12 = tpu.memref_slice %arg8[%mul3A_7, %dma_start3A_11] : memref<10240x128xf32, #tpu.memory_space<vmem_shared>> -> memref<640x128xf32, #tpu.memory_space<vmem_shared>>
      tpu.enqueue_dma source(%dma_start3A_12 : memref<640x128xf32, #tpu.memory_space<vmem_shared>>) target(%dma_start3A_10 : memref<640x128xf32, #tpu.memory_space<hbm>>) target_semaphore(%run_scoped3A : memref<!tpu.dma_semaphore, #tpu.memory_space<semaphore_mem>>)
      %dma_wait3A = arith.constant 0 : i32
      %dma_wait3A_13 = tpu.memref_slice %arg5[%mul3A_9, %dma_wait3A] : memref<10240x128xf32, #tpu.memory_space<hbm>> -> memref<640x128xf32, #tpu.memory_space<hbm>>
      %dma_wait3A_14 = arith.constant 0 : i32
      %dma_wait3A_15 = tpu.memref_slice %arg8[%mul3A_7, %dma_wait3A_14] : memref<10240x128xf32, #tpu.memory_space<vmem_shared>> -> memref<640x128xf32, #tpu.memory_space<vmem_shared>>
      tpu.wait_dma2 semaphore(%run_scoped3A : memref<!tpu.dma_semaphore, #tpu.memory_space<semaphore_mem>>) src(%dma_wait3A_15 : memref<640x128xf32, #tpu.memory_space<vmem_shared>>) dst(%dma_wait3A_13 : memref<640x128xf32, #tpu.memory_space<hbm>>)
      tpu.yield
    }) : () -> ()
    return
  }
}

#map = affine_map<(d0, d1) -> (0, 0)>
#map1 = affine_map<(d0, d1) -> (0, 0, 0)>
module attributes {stable_mosaic.version = 14 : i64} {
  func.func @spmm_kernel(%arg0: i32, %arg1: i32, %arg2: memref<10000x128xf32, #tpu.memory_space<hbm>>, %arg3: memref<2512x2x128xi32, #tpu.memory_space<hbm>>, %arg4: memref<640x128xf32, #tpu.memory_space<hbm>>, %arg5: memref<10240x128xf32, #tpu.memory_space<hbm>>, %arg6: memref<2x128xi32, #tpu.memory_space<vmem>>, %arg7: memref<128x128xf32, #tpu.memory_space<vmem>>, %arg8: memref<10240x128xf32, #tpu.memory_space<vmem_shared>>) attributes {dimension_semantics = [#tpu.dimension_semantics<core_parallel>, #tpu.dimension_semantics<subcore_parallel>], iteration_bounds = array<i64: 1, 16>, scalar_prefetch = 0 : i64, scratch_operands = 3 : i64, tpu.core_type = #tpu.core_type<sc_vector_subcore>, window_params = [{transform_indices = #map}, {transform_indices = #map1}, {transform_indices = #map}, {transform_indices = #map}]} {
    %mul3A = arith.constant 157 : i32
    %mul3A_0 = arith.muli %arg1, %mul3A : i32
    %mul3A_1 = arith.constant 640 : i32
    %mul3A_2 = arith.muli %arg1, %mul3A_1 : i32
    "tpu.region"() ({
      %run_scoped3A = tpu.sem_alloc : memref<!tpu.dma_semaphore, #tpu.memory_space<semaphore_mem>>
      %dma_start3A = arith.constant 0 : i32
      %dma_start3A_12 = tpu.memref_slice %arg8[%mul3A_2, %dma_start3A] : memref<10240x128xf32, #tpu.memory_space<vmem_shared>> -> memref<640x128xf32, #tpu.memory_space<vmem_shared>>
      tpu.enqueue_dma source(%arg4 : memref<640x128xf32, #tpu.memory_space<hbm>>) target(%dma_start3A_12 : memref<640x128xf32, #tpu.memory_space<vmem_shared>>) target_semaphore(%run_scoped3A : memref<!tpu.dma_semaphore, #tpu.memory_space<semaphore_mem>>)
      %dma_wait3A = arith.constant 0 : i32
      %dma_wait3A_13 = tpu.memref_slice %arg8[%mul3A_2, %dma_wait3A] : memref<10240x128xf32, #tpu.memory_space<vmem_shared>> -> memref<640x128xf32, #tpu.memory_space<vmem_shared>>
      tpu.wait_dma2 semaphore(%run_scoped3A : memref<!tpu.dma_semaphore, #tpu.memory_space<semaphore_mem>>) src(%arg4 : memref<640x128xf32, #tpu.memory_space<hbm>>) dst(%dma_wait3A_13 : memref<640x128xf32, #tpu.memory_space<vmem_shared>>)
      tpu.yield
    }) : () -> ()
    %barrier3A = arith.constant 0 : index
    tpu.barrier barrier_id(%barrier3A)
    %scan3A = arith.constant 0 : i32
    %scan3A_3 = arith.constant 157 : i32
    %scan3A_4 = arith.addi %scan3A, %scan3A_3 : i32
    %scan3A_5 = arith.constant 1 : i32
    scf.for %scan3A_12 = %scan3A to %scan3A_4 step %scan3A_5  : i32 {
      %mul3A_13 = arith.constant 1 : i32
      %mul3A_14 = arith.muli %scan3A_12, %mul3A_13 : i32
      %add3A = arith.constant 0 : i32
      %add3A_15 = arith.addi %add3A, %mul3A_14 : i32
      %add3A_16 = arith.addi %mul3A_0, %add3A_15 : i32
      "tpu.region"() ({
        %run_scoped3A_18 = tpu.sem_alloc : memref<!tpu.dma_semaphore, #tpu.memory_space<semaphore_mem>>
        %dma_start3A = arith.constant 0 : i32
        %dma_start3A_19 = arith.constant 0 : i32
        %dma_start3A_20 = tpu.memref_slice %arg3[%add3A_16, %dma_start3A, %dma_start3A_19] : memref<2512x2x128xi32, #tpu.memory_space<hbm>> -> memref<1x2x128xi32, #tpu.memory_space<hbm>>
        %dma_start3A_21 = tpu.memref_squeeze %dma_start3A_20 : memref<1x2x128xi32, #tpu.memory_space<hbm>> -> memref<2x128xi32, #tpu.memory_space<hbm>>
        %dma_start3A_22 = arith.constant 0 : i32
        %dma_start3A_23 = arith.constant 0 : i32
        %dma_start3A_24 = tpu.memref_slice %arg3[%add3A_16, %dma_start3A_22, %dma_start3A_23] : memref<2512x2x128xi32, #tpu.memory_space<hbm>> -> memref<1x2x128xi32, #tpu.memory_space<hbm>>
        %dma_start3A_25 = tpu.memref_squeeze %dma_start3A_24 : memref<1x2x128xi32, #tpu.memory_space<hbm>> -> memref<2x128xi32, #tpu.memory_space<hbm>>
        tpu.enqueue_dma source(%dma_start3A_25 : memref<2x128xi32, #tpu.memory_space<hbm>>) target(%arg6 : memref<2x128xi32, #tpu.memory_space<vmem>>) target_semaphore(%run_scoped3A_18 : memref<!tpu.dma_semaphore, #tpu.memory_space<semaphore_mem>>)
        %dma_wait3A = arith.constant 0 : i32
        %dma_wait3A_26 = arith.constant 0 : i32
        %dma_wait3A_27 = tpu.memref_slice %arg3[%add3A_16, %dma_wait3A, %dma_wait3A_26] : memref<2512x2x128xi32, #tpu.memory_space<hbm>> -> memref<1x2x128xi32, #tpu.memory_space<hbm>>
        %dma_wait3A_28 = tpu.memref_squeeze %dma_wait3A_27 : memref<1x2x128xi32, #tpu.memory_space<hbm>> -> memref<2x128xi32, #tpu.memory_space<hbm>>
        %dma_wait3A_29 = arith.constant 0 : i32
        %dma_wait3A_30 = arith.constant 0 : i32
        %dma_wait3A_31 = tpu.memref_slice %arg3[%add3A_16, %dma_wait3A_29, %dma_wait3A_30] : memref<2512x2x128xi32, #tpu.memory_space<hbm>> -> memref<1x2x128xi32, #tpu.memory_space<hbm>>
        %dma_wait3A_32 = tpu.memref_squeeze %dma_wait3A_31 : memref<1x2x128xi32, #tpu.memory_space<hbm>> -> memref<2x128xi32, #tpu.memory_space<hbm>>
        tpu.wait_dma2 semaphore(%run_scoped3A_18 : memref<!tpu.dma_semaphore, #tpu.memory_space<semaphore_mem>>) src(%dma_wait3A_32 : memref<2x128xi32, #tpu.memory_space<hbm>>) dst(%arg6 : memref<2x128xi32, #tpu.memory_space<vmem>>)
        tpu.yield
      }) : () -> ()
      %run_scoped3A = arith.constant 0 : i32
      "tpu.region"() ({
        %run_scoped3A_18 = tpu.sem_alloc : memref<!tpu.dma_semaphore, #tpu.memory_space<semaphore_mem>>
        %dma_start3A = arith.constant 0 : i32
        %dma_start3A_19 = tpu.memref_slice %arg6[%run_scoped3A, %dma_start3A] : memref<2x128xi32, #tpu.memory_space<vmem>> -> memref<1x128xi32, #tpu.memory_space<vmem>>
        %dma_start3A_20 = tpu.memref_squeeze %dma_start3A_19 : memref<1x128xi32, #tpu.memory_space<vmem>> -> memref<128xi32, #tpu.memory_space<vmem>>
        %dma_start3A_21 = arith.constant 0 : i32
        %dma_start3A_22 = arith.constant 0 : i32
        %dma_start3A_23 = tpu.memref_slice %arg2[%dma_start3A_21, %dma_start3A_22] : memref<10000x128xf32, #tpu.memory_space<hbm>> -> memref<10000x128xf32, #tpu.memory_space<hbm>>
        tpu.enqueue_indirect_dma source(%dma_start3A_23 : memref<10000x128xf32, #tpu.memory_space<hbm>>) target(%arg7 : memref<128x128xf32, #tpu.memory_space<vmem>>) offsets(%dma_start3A_20 : memref<128xi32, #tpu.memory_space<vmem>>) semaphore(%run_scoped3A_18 : memref<!tpu.dma_semaphore, #tpu.memory_space<semaphore_mem>>)
        %dma_wait3A = arith.constant 0 : i32
        %dma_wait3A_24 = tpu.memref_slice %arg6[%run_scoped3A, %dma_wait3A] : memref<2x128xi32, #tpu.memory_space<vmem>> -> memref<1x128xi32, #tpu.memory_space<vmem>>
        %dma_wait3A_25 = tpu.memref_squeeze %dma_wait3A_24 : memref<1x128xi32, #tpu.memory_space<vmem>> -> memref<128xi32, #tpu.memory_space<vmem>>
        %dma_wait3A_26 = arith.constant 0 : i32
        %dma_wait3A_27 = arith.constant 0 : i32
        %dma_wait3A_28 = tpu.memref_slice %arg2[%dma_wait3A_26, %dma_wait3A_27] : memref<10000x128xf32, #tpu.memory_space<hbm>> -> memref<10000x128xf32, #tpu.memory_space<hbm>>
        tpu.wait_indirect_dma semaphore(%run_scoped3A_18 : memref<!tpu.dma_semaphore, #tpu.memory_space<semaphore_mem>>) src(%dma_wait3A_28 : memref<10000x128xf32, #tpu.memory_space<hbm>>) dst(%arg7 : memref<128x128xf32, #tpu.memory_space<vmem>>)
        tpu.yield
      }) : () -> ()
      %run_scoped3A_17 = arith.constant 1 : i32
      "tpu.region"() ({
        %run_scoped3A_18 = tpu.sem_alloc : memref<!tpu.dma_semaphore, #tpu.memory_space<semaphore_mem>>
        %dma_start3A = arith.constant 0 : i32
        %dma_start3A_19 = tpu.memref_slice %arg6[%run_scoped3A_17, %dma_start3A] : memref<2x128xi32, #tpu.memory_space<vmem>> -> memref<1x128xi32, #tpu.memory_space<vmem>>
        %dma_start3A_20 = tpu.memref_squeeze %dma_start3A_19 : memref<1x128xi32, #tpu.memory_space<vmem>> -> memref<128xi32, #tpu.memory_space<vmem>>
        %dma_start3A_21 = arith.constant 0 : i32
        %dma_start3A_22 = arith.constant 0 : i32
        %dma_start3A_23 = tpu.memref_slice %arg8[%dma_start3A_21, %dma_start3A_22] : memref<10240x128xf32, #tpu.memory_space<vmem_shared>> -> memref<10240x128xf32, #tpu.memory_space<vmem_shared>>
        tpu.enqueue_indirect_dma source(%arg7 : memref<128x128xf32, #tpu.memory_space<vmem>>) target(%dma_start3A_23 : memref<10240x128xf32, #tpu.memory_space<vmem_shared>>) offsets(%dma_start3A_20 : memref<128xi32, #tpu.memory_space<vmem>>) semaphore(%run_scoped3A_18 : memref<!tpu.dma_semaphore, #tpu.memory_space<semaphore_mem>>) {add = true}
        %dma_wait3A = arith.constant 0 : i32
        %dma_wait3A_24 = tpu.memref_slice %arg6[%run_scoped3A_17, %dma_wait3A] : memref<2x128xi32, #tpu.memory_space<vmem>> -> memref<1x128xi32, #tpu.memory_space<vmem>>
        %dma_wait3A_25 = tpu.memref_squeeze %dma_wait3A_24 : memref<1x128xi32, #tpu.memory_space<vmem>> -> memref<128xi32, #tpu.memory_space<vmem>>
        %dma_wait3A_26 = arith.constant 0 : i32
        %dma_wait3A_27 = arith.constant 0 : i32
        %dma_wait3A_28 = tpu.memref_slice %arg8[%dma_wait3A_26, %dma_wait3A_27] : memref<10240x128xf32, #tpu.memory_space<vmem_shared>> -> memref<10240x128xf32, #tpu.memory_space<vmem_shared>>
        tpu.wait_indirect_dma semaphore(%run_scoped3A_18 : memref<!tpu.dma_semaphore, #tpu.memory_space<semaphore_mem>>) src(%arg7 : memref<128x128xf32, #tpu.memory_space<vmem>>) dst(%dma_wait3A_28 : memref<10240x128xf32, #tpu.memory_space<vmem_shared>>)
        tpu.yield
      }) : () -> ()
    }
    %scan3A_6 = arith.constant 157 : i32
    %barrier3A_7 = arith.constant 0 : index
    tpu.barrier barrier_id(%barrier3A_7)
    %mul3A_8 = arith.constant 640 : i32
    %mul3A_9 = arith.muli %arg1, %mul3A_8 : i32
    %mul3A_10 = arith.constant 640 : i32
    %mul3A_11 = arith.muli %arg1, %mul3A_10 : i32
    "tpu.region"() ({
      %run_scoped3A = tpu.sem_alloc : memref<!tpu.dma_semaphore, #tpu.memory_space<semaphore_mem>>
      %dma_start3A = arith.constant 0 : i32
      %dma_start3A_12 = tpu.memref_slice %arg5[%mul3A_11, %dma_start3A] : memref<10240x128xf32, #tpu.memory_space<hbm>> -> memref<640x128xf32, #tpu.memory_space<hbm>>
      %dma_start3A_13 = arith.constant 0 : i32
      %dma_start3A_14 = tpu.memref_slice %arg8[%mul3A_9, %dma_start3A_13] : memref<10240x128xf32, #tpu.memory_space<vmem_shared>> -> memref<640x128xf32, #tpu.memory_space<vmem_shared>>
      tpu.enqueue_dma source(%dma_start3A_14 : memref<640x128xf32, #tpu.memory_space<vmem_shared>>) target(%dma_start3A_12 : memref<640x128xf32, #tpu.memory_space<hbm>>) target_semaphore(%run_scoped3A : memref<!tpu.dma_semaphore, #tpu.memory_space<semaphore_mem>>)
      %dma_wait3A = arith.constant 0 : i32
      %dma_wait3A_15 = tpu.memref_slice %arg5[%mul3A_11, %dma_wait3A] : memref<10240x128xf32, #tpu.memory_space<hbm>> -> memref<640x128xf32, #tpu.memory_space<hbm>>
      %dma_wait3A_16 = arith.constant 0 : i32
      %dma_wait3A_17 = tpu.memref_slice %arg8[%mul3A_9, %dma_wait3A_16] : memref<10240x128xf32, #tpu.memory_space<vmem_shared>> -> memref<640x128xf32, #tpu.memory_space<vmem_shared>>
      tpu.wait_dma2 semaphore(%run_scoped3A : memref<!tpu.dma_semaphore, #tpu.memory_space<semaphore_mem>>) src(%dma_wait3A_17 : memref<640x128xf32, #tpu.memory_space<vmem_shared>>) dst(%dma_wait3A_15 : memref<640x128xf32, #tpu.memory_space<hbm>>)
      tpu.yield
    }) : () -> ()
    return
  }
}

module attributes {stable_mosaic.version = 14 : i64} {
  func.func @_tc2_body(%arg0: i32, %arg1: memref<1000x128xf32, #tpu.memory_space<vmem>>, %arg2: memref<1000x128xf32, #tpu.memory_space<vmem>>, %arg3: memref<1000x128xf32, #tpu.memory_space<vmem>>, %arg4: memref<1x128xf32, #tpu.memory_space<vmem>>, %arg5: memref<1000x128xf32, #tpu.memory_space<vmem>>, %arg6: memref<1000x128xf32, #tpu.memory_space<vmem>>) attributes {dimension_semantics = [#tpu.dimension_semantics<arbitrary>], iteration_bounds = array<i64: 10>, scalar_prefetch = 0 : i64, scratch_operands = 0 : i64, tpu.core_type = #tpu.core_type<tc>, window_params = [{transform_indices = @transform_0, window_bounds = array<i64: 1000, 128>}, {transform_indices = @transform_1, window_bounds = array<i64: 1000, 128>}, {transform_indices = @transform_2, window_bounds = array<i64: 1000, 128>}, {pipeline_mode = #tpu.pipeline_mode<synchronous>, transform_indices = @transform_3, window_bounds = array<i64: 1, 128>}, {transform_indices = @transform_4, window_bounds = array<i64: 1000, 128>}, {transform_indices = @transform_5, window_bounds = array<i64: 1000, 128>}]} {
    %get3A = arith.constant 0 : index
    %get3A_0 = arith.constant 0 : index
    %get3A_1 = vector.load %arg3[%get3A, %get3A_0] : memref<1000x128xf32, #tpu.memory_space<vmem>>, vector<1000x128xf32>
    %get3A_2 = arith.constant 0 : index
    %get3A_3 = arith.constant 0 : index
    %get3A_4 = vector.load %arg1[%get3A_2, %get3A_3] : memref<1000x128xf32, #tpu.memory_space<vmem>>, vector<1000x128xf32>
    %mul3A = arith.mulf %get3A_1, %get3A_4 : vector<1000x128xf32>
    %mul3A_5 = arith.mulf %get3A_1, %get3A_1 : vector<1000x128xf32>
    %get3A_6 = arith.constant 0 : index
    %get3A_7 = arith.constant 0 : index
    %get3A_8 = vector.load %arg2[%get3A_6, %get3A_7] : memref<1000x128xf32, #tpu.memory_space<vmem>>, vector<1000x128xf32>
    %mul3A_9 = arith.mulf %mul3A_5, %get3A_8 : vector<1000x128xf32>
    %add3A = arith.addf %mul3A, %mul3A_9 : vector<1000x128xf32>
    %get3A_10 = arith.constant 0 : index
    %get3A_11 = arith.constant 0 : index
    %get3A_12 = vector.load %arg4[%get3A_10, %get3A_11] : memref<1x128xf32, #tpu.memory_space<vmem>>, vector<1x128xf32>
    %add3A_13 = vector.broadcast %get3A_12 : vector<1x128xf32> to vector<1000x128xf32>
    %add3A_14 = arith.addf %add3A, %add3A_13 : vector<1000x128xf32>
    %max3A = arith.constant 0.000000e+00 : f32
    %max3A_15 = vector.broadcast %max3A : f32 to vector<1000x128xf32>
    %max3A_16 = arith.maximumf %add3A_14, %max3A_15 : vector<1000x128xf32>
    %swap3A = arith.constant 0 : index
    %swap3A_17 = arith.constant 0 : index
    %swap3A_18 = vector.load %arg5[%swap3A, %swap3A_17] : memref<1000x128xf32, #tpu.memory_space<vmem>>, vector<1000x128xf32>
    tpu.vector_store %arg5[%swap3A, %swap3A_17], %max3A_16 {strides = array<i32>} : memref<1000x128xf32, #tpu.memory_space<vmem>>, vector<1000x128xf32>,
    %mul3A_19 = arith.mulf %max3A_16, %get3A_1 : vector<1000x128xf32>
    %swap3A_20 = arith.constant 0 : index
    %swap3A_21 = arith.constant 0 : index
    %swap3A_22 = vector.load %arg6[%swap3A_20, %swap3A_21] : memref<1000x128xf32, #tpu.memory_space<vmem>>, vector<1000x128xf32>
    tpu.vector_store %arg6[%swap3A_20, %swap3A_21], %mul3A_19 {strides = array<i32>} : memref<1000x128xf32, #tpu.memory_space<vmem>>, vector<1000x128xf32>,
    return
  }
  func.func @transform_0(%arg0: i32) -> (i32, i32) {
    %c0_i32 = arith.constant 0 : i32
    %c0_i32_0 = arith.constant 0 : i32
    return %arg0, %c0_i32 : i32, i32
  }
  func.func @transform_1(%arg0: i32) -> (i32, i32) {
    %c0_i32 = arith.constant 0 : i32
    %c0_i32_0 = arith.constant 0 : i32
    return %arg0, %c0_i32 : i32, i32
  }
  func.func @transform_2(%arg0: i32) -> (i32, i32) {
    %c0_i32 = arith.constant 0 : i32
    %c0_i32_0 = arith.constant 0 : i32
    return %arg0, %c0_i32 : i32, i32
  }
  func.func @transform_3(%arg0: i32) -> (i32, i32) {
    %c0_i32 = arith.constant 0 : i32
    %c0_i32_0 = arith.constant 0 : i32
    %c0_i32_1 = arith.constant 0 : i32
    return %c0_i32, %c0_i32_0 : i32, i32
  }
  func.func @transform_4(%arg0: i32) -> (i32, i32) {
    %c0_i32 = arith.constant 0 : i32
    %c0_i32_0 = arith.constant 0 : i32
    return %arg0, %c0_i32 : i32, i32
  }
  func.func @transform_5(%arg0: i32) -> (i32, i32) {
    %c0_i32 = arith.constant 0 : i32
    %c0_i32_0 = arith.constant 0 : i32
    return %arg0, %c0_i32 : i32, i32
  }
}

module attributes {stable_mosaic.version = 14 : i64} {
  func.func @_tc1_body(%arg0: i32, %arg1: memref<1000x128xf32, #tpu.memory_space<vmem>>, %arg2: memref<1000x128xf32, #tpu.memory_space<vmem>>, %arg3: memref<128x128xf32, #tpu.memory_space<vmem>>, %arg4: memref<1000x128xf32, #tpu.memory_space<vmem>>, %arg5: memref<1000x128xf32, #tpu.memory_space<vmem>>, %arg6: memref<1000x128xf32, #tpu.memory_space<vmem>>) attributes {dimension_semantics = [#tpu.dimension_semantics<arbitrary>], iteration_bounds = array<i64: 10>, scalar_prefetch = 0 : i64, scratch_operands = 0 : i64, tpu.core_type = #tpu.core_type<tc>, window_params = [{transform_indices = @transform_0, window_bounds = array<i64: 1000, 128>}, {transform_indices = @transform_1, window_bounds = array<i64: 1000, 128>}, {pipeline_mode = #tpu.pipeline_mode<synchronous>, transform_indices = @transform_2, window_bounds = array<i64: 128, 128>}, {transform_indices = @transform_3, window_bounds = array<i64: 1000, 128>}, {transform_indices = @transform_4, window_bounds = array<i64: 1000, 128>}, {transform_indices = @transform_5, window_bounds = array<i64: 1000, 128>}]} {
    %get3A = arith.constant 0 : index
    %get3A_0 = arith.constant 0 : index
    %get3A_1 = vector.load %arg1[%get3A, %get3A_0] : memref<1000x128xf32, #tpu.memory_space<vmem>>, vector<1000x1xf32>
    %add3A = arith.constant 1.000000e+00 : f32
    %add3A_2 = vector.broadcast %add3A : f32 to vector<1000x1xf32>
    %add3A_3 = arith.addf %get3A_1, %add3A_2 : vector<1000x1xf32>
    %rsqrt3A = math.rsqrt %add3A_3 : vector<1000x1xf32>
    %get3A_4 = arith.constant 0 : index
    %get3A_5 = arith.constant 0 : index
    %get3A_6 = vector.load %arg2[%get3A_4, %get3A_5] : memref<1000x128xf32, #tpu.memory_space<vmem>>, vector<1000x128xf32>
    %get3A_7 = arith.constant 0 : index
    %get3A_8 = arith.constant 0 : index
    %get3A_9 = vector.load %arg3[%get3A_7, %get3A_8] : memref<128x128xf32, #tpu.memory_space<vmem>>, vector<128x128xf32>
    %dot_general3A = arith.constant dense<0.000000e+00> : vector<1000x128xf32>
    %dot_general3A_10 = tpu.matmul %get3A_6, %get3A_9, %dot_general3A {dimension_numbers = #tpu.dot_dimension_numbers<[1], [0], [0], [1], [0, 0, 1, 1], [], []>, transpose_lhs_hint = false} : vector<1000x128xf32>, vector<128x128xf32>, vector<1000x128xf32> -> vector<1000x128xf32>
    %swap3A = arith.constant 0 : index
    %swap3A_11 = arith.constant 0 : index
    %swap3A_12 = vector.load %arg4[%swap3A, %swap3A_11] : memref<1000x128xf32, #tpu.memory_space<vmem>>, vector<1000x128xf32>
    tpu.vector_store %arg4[%swap3A, %swap3A_11], %dot_general3A_10 {strides = array<i32>} : memref<1000x128xf32, #tpu.memory_space<vmem>>, vector<1000x128xf32>,
    %mul3A = vector.broadcast %rsqrt3A : vector<1000x1xf32> to vector<1000x128xf32>
    %mul3A_13 = arith.mulf %dot_general3A_10, %mul3A : vector<1000x128xf32>
    %swap3A_14 = arith.constant 0 : index
    %swap3A_15 = arith.constant 0 : index
    %swap3A_16 = vector.load %arg5[%swap3A_14, %swap3A_15] : memref<1000x128xf32, #tpu.memory_space<vmem>>, vector<1000x128xf32>
    tpu.vector_store %arg5[%swap3A_14, %swap3A_15], %mul3A_13 {strides = array<i32>} : memref<1000x128xf32, #tpu.memory_space<vmem>>, vector<1000x128xf32>,
    %broadcast_in_dim3A = vector.shape_cast %rsqrt3A : vector<1000x1xf32> to vector<1000x1xf32>
    %broadcast_in_dim3A_17 = vector.broadcast %broadcast_in_dim3A : vector<1000x1xf32> to vector<1000x128xf32>
    %swap3A_18 = arith.constant 0 : index
    %swap3A_19 = arith.constant 0 : index
    %swap3A_20 = vector.load %arg6[%swap3A_18, %swap3A_19] : memref<1000x128xf32, #tpu.memory_space<vmem>>, vector<1000x128xf32>
    tpu.vector_store %arg6[%swap3A_18, %swap3A_19], %broadcast_in_dim3A_17 {strides = array<i32>} : memref<1000x128xf32, #tpu.memory_space<vmem>>, vector<1000x128xf32>,
    return
  }
  func.func @transform_0(%arg0: i32) -> (i32, i32) {
    %c0_i32 = arith.constant 0 : i32
    %c0_i32_0 = arith.constant 0 : i32
    return %arg0, %c0_i32 : i32, i32
  }
  func.func @transform_1(%arg0: i32) -> (i32, i32) {
    %c0_i32 = arith.constant 0 : i32
    %c0_i32_0 = arith.constant 0 : i32
    return %arg0, %c0_i32 : i32, i32
  }
  func.func @transform_2(%arg0: i32) -> (i32, i32) {
    %c0_i32 = arith.constant 0 : i32
    %c0_i32_0 = arith.constant 0 : i32
    %c0_i32_1 = arith.constant 0 : i32
    return %c0_i32, %c0_i32_0 : i32, i32
  }
  func.func @transform_3(%arg0: i32) -> (i32, i32) {
    %c0_i32 = arith.constant 0 : i32
    %c0_i32_0 = arith.constant 0 : i32
    return %arg0, %c0_i32 : i32, i32
  }
  func.func @transform_4(%arg0: i32) -> (i32, i32) {
    %c0_i32 = arith.constant 0 : i32
    %c0_i32_0 = arith.constant 0 : i32
    return %arg0, %c0_i32 : i32, i32
  }
  func.func @transform_5(%arg0: i32) -> (i32, i32) {
    %c0_i32 = arith.constant 0 : i32
    %c0_i32_0 = arith.constant 0 : i32
    return %arg0, %c0_i32 : i32, i32
  }
}

module attributes {stable_mosaic.version = 14 : i64} {
  func.func @_tc3_body(%arg0: i32, %arg1: memref<1000x128xf32, #tpu.memory_space<vmem>>, %arg2: memref<1000x128xf32, #tpu.memory_space<vmem>>, %arg3: memref<1000x128xf32, #tpu.memory_space<vmem>>, %arg4: memref<128x64xf32, #tpu.memory_space<vmem>>, %arg5: memref<1x64xf32, #tpu.memory_space<vmem>>, %arg6: memref<128x64xf32, #tpu.memory_space<vmem>>, %arg7: memref<1x64xf32, #tpu.memory_space<vmem>>, %arg8: memref<1000x64xf32, #tpu.memory_space<vmem>>, %arg9: memref<1000x64xf32, #tpu.memory_space<vmem>>) attributes {dimension_semantics = [#tpu.dimension_semantics<arbitrary>], iteration_bounds = array<i64: 10>, scalar_prefetch = 0 : i64, scratch_operands = 0 : i64, tpu.core_type = #tpu.core_type<tc>, window_params = [{transform_indices = @transform_0, window_bounds = array<i64: 1000, 128>}, {transform_indices = @transform_1, window_bounds = array<i64: 1000, 128>}, {transform_indices = @transform_2, window_bounds = array<i64: 1000, 128>}, {pipeline_mode = #tpu.pipeline_mode<synchronous>, transform_indices = @transform_3, window_bounds = array<i64: 128, 64>}, {pipeline_mode = #tpu.pipeline_mode<synchronous>, transform_indices = @transform_4, window_bounds = array<i64: 1, 64>}, {pipeline_mode = #tpu.pipeline_mode<synchronous>, transform_indices = @transform_5, window_bounds = array<i64: 128, 64>}, {pipeline_mode = #tpu.pipeline_mode<synchronous>, transform_indices = @transform_6, window_bounds = array<i64: 1, 64>}, {transform_indices = @transform_7, window_bounds = array<i64: 1000, 64>}, {transform_indices = @transform_8, window_bounds = array<i64: 1000, 64>}]} {
    %get3A = arith.constant 0 : index
    %get3A_0 = arith.constant 0 : index
    %get3A_1 = vector.load %arg3[%get3A, %get3A_0] : memref<1000x128xf32, #tpu.memory_space<vmem>>, vector<1000x128xf32>
    %get3A_2 = arith.constant 0 : index
    %get3A_3 = arith.constant 0 : index
    %get3A_4 = vector.load %arg1[%get3A_2, %get3A_3] : memref<1000x128xf32, #tpu.memory_space<vmem>>, vector<1000x128xf32>
    %mul3A = arith.mulf %get3A_1, %get3A_4 : vector<1000x128xf32>
    %mul3A_5 = arith.mulf %get3A_1, %get3A_1 : vector<1000x128xf32>
    %get3A_6 = arith.constant 0 : index
    %get3A_7 = arith.constant 0 : index
    %get3A_8 = vector.load %arg2[%get3A_6, %get3A_7] : memref<1000x128xf32, #tpu.memory_space<vmem>>, vector<1000x128xf32>
    %mul3A_9 = arith.mulf %mul3A_5, %get3A_8 : vector<1000x128xf32>
    %add3A = arith.addf %mul3A, %mul3A_9 : vector<1000x128xf32>
    %get3A_10 = arith.constant 0 : index
    %get3A_11 = arith.constant 0 : index
    %get3A_12 = vector.load %arg4[%get3A_10, %get3A_11] : memref<128x64xf32, #tpu.memory_space<vmem>>, vector<128x64xf32>
    %dot_general3A = arith.constant dense<0.000000e+00> : vector<1000x64xf32>
    %dot_general3A_13 = tpu.matmul %add3A, %get3A_12, %dot_general3A {dimension_numbers = #tpu.dot_dimension_numbers<[1], [0], [0], [1], [0, 0, 1, 1], [], []>, transpose_lhs_hint = false} : vector<1000x128xf32>, vector<128x64xf32>, vector<1000x64xf32> -> vector<1000x64xf32>
    %get3A_14 = arith.constant 0 : index
    %get3A_15 = arith.constant 0 : index
    %get3A_16 = vector.load %arg5[%get3A_14, %get3A_15] : memref<1x64xf32, #tpu.memory_space<vmem>>, vector<1x64xf32>
    %add3A_17 = vector.broadcast %get3A_16 : vector<1x64xf32> to vector<1000x64xf32>
    %add3A_18 = arith.addf %dot_general3A_13, %add3A_17 : vector<1000x64xf32>
    %swap3A = arith.constant 0 : index
    %swap3A_19 = arith.constant 0 : index
    %swap3A_20 = vector.load %arg8[%swap3A, %swap3A_19] : memref<1000x64xf32, #tpu.memory_space<vmem>>, vector<1000x64xf32>
    tpu.vector_store %arg8[%swap3A, %swap3A_19], %add3A_18 {strides = array<i32>} : memref<1000x64xf32, #tpu.memory_space<vmem>>, vector<1000x64xf32>,
    %get3A_21 = arith.constant 0 : index
    %get3A_22 = arith.constant 0 : index
    %get3A_23 = vector.load %arg6[%get3A_21, %get3A_22] : memref<128x64xf32, #tpu.memory_space<vmem>>, vector<128x64xf32>
    %dot_general3A_24 = arith.constant dense<0.000000e+00> : vector<1000x64xf32>
    %dot_general3A_25 = tpu.matmul %add3A, %get3A_23, %dot_general3A_24 {dimension_numbers = #tpu.dot_dimension_numbers<[1], [0], [0], [1], [0, 0, 1, 1], [], []>, transpose_lhs_hint = false} : vector<1000x128xf32>, vector<128x64xf32>, vector<1000x64xf32> -> vector<1000x64xf32>
    %get3A_26 = arith.constant 0 : index
    %get3A_27 = arith.constant 0 : index
    %get3A_28 = vector.load %arg7[%get3A_26, %get3A_27] : memref<1x64xf32, #tpu.memory_space<vmem>>, vector<1x64xf32>
    %add3A_29 = vector.broadcast %get3A_28 : vector<1x64xf32> to vector<1000x64xf32>
    %add3A_30 = arith.addf %dot_general3A_25, %add3A_29 : vector<1000x64xf32>
    %swap3A_31 = arith.constant 0 : index
    %swap3A_32 = arith.constant 0 : index
    %swap3A_33 = vector.load %arg9[%swap3A_31, %swap3A_32] : memref<1000x64xf32, #tpu.memory_space<vmem>>, vector<1000x64xf32>
    tpu.vector_store %arg9[%swap3A_31, %swap3A_32], %add3A_30 {strides = array<i32>} : memref<1000x64xf32, #tpu.memory_space<vmem>>, vector<1000x64xf32>,
    return
  }
  func.func @transform_0(%arg0: i32) -> (i32, i32) {
    %c0_i32 = arith.constant 0 : i32
    %c0_i32_0 = arith.constant 0 : i32
    return %arg0, %c0_i32 : i32, i32
  }
  func.func @transform_1(%arg0: i32) -> (i32, i32) {
    %c0_i32 = arith.constant 0 : i32
    %c0_i32_0 = arith.constant 0 : i32
    return %arg0, %c0_i32 : i32, i32
  }
  func.func @transform_2(%arg0: i32) -> (i32, i32) {
    %c0_i32 = arith.constant 0 : i32
    %c0_i32_0 = arith.constant 0 : i32
    return %arg0, %c0_i32 : i32, i32
  }
  func.func @transform_3(%arg0: i32) -> (i32, i32) {
    %c0_i32 = arith.constant 0 : i32
    %c0_i32_0 = arith.constant 0 : i32
    %c0_i32_1 = arith.constant 0 : i32
    return %c0_i32, %c0_i32_0 : i32, i32
  }
  func.func @transform_4(%arg0: i32) -> (i32, i32) {
    %c0_i32 = arith.constant 0 : i32
    %c0_i32_0 = arith.constant 0 : i32
    %c0_i32_1 = arith.constant 0 : i32
    return %c0_i32, %c0_i32_0 : i32, i32
  }
  func.func @transform_5(%arg0: i32) -> (i32, i32) {
    %c0_i32 = arith.constant 0 : i32
    %c0_i32_0 = arith.constant 0 : i32
    %c0_i32_1 = arith.constant 0 : i32
    return %c0_i32, %c0_i32_0 : i32, i32
  }
  func.func @transform_6(%arg0: i32) -> (i32, i32) {
    %c0_i32 = arith.constant 0 : i32
    %c0_i32_0 = arith.constant 0 : i32
    %c0_i32_1 = arith.constant 0 : i32
    return %c0_i32, %c0_i32_0 : i32, i32
  }
  func.func @transform_7(%arg0: i32) -> (i32, i32) {
    %c0_i32 = arith.constant 0 : i32
    %c0_i32_0 = arith.constant 0 : i32
    return %arg0, %c0_i32 : i32, i32
  }
  func.func @transform_8(%arg0: i32) -> (i32, i32) {
    %c0_i32 = arith.constant 0 : i32
    %c0_i32_0 = arith.constant 0 : i32
    return %arg0, %c0_i32 : i32, i32
  }
}

</mosaic_0001>

<sc_bundles>
// kernel: kernel.11.cloned.1.call-start
scs
__scs_entry_jumppad:
0x0: {  	(pc) =	sbr.rel $0x88, $3  }
0x1: {  	(tag) =	ssettag $0x0;
	lr =	simm.s32 $0x1  }
0x2: {  	[smem:$0x3F99] =	sst lr;
	_ =	strace $0xD0000000  }
0x3: {  	_ = 	snop  }
0x4: {  	_ = 	snop  }
0x5: {  	_ = 	snop  }
0x6: {  	_ = 	snop  }
0x7: {  	_ = 	snop  }
__scs_overlays_trampoline_lowered:
0x8: {  	[smem:$0x3FA8] =	sst s0  }
0x9: {  	[smem:$0x3FA9] =	sst s1  }
0xa: {  	[smem:$0x3FAA] =	sst s2  }
0xb: {  	[smem:$0x3FAB] =	sst s3  }
0xc: {  	[smem:$0x3FAC] =	sst s4  }
0xd: {  	[smem:$0x3FAD] =	sst s5  }
0xe: {  	[smem:$0x3FAE] =	sst s6  }
0xf: {  	[smem:$0x3FAF] =	sst s7  }
0x10: {  	[smem:$0x3FB0] =	sst s8  }
0x11: {  	[smem:$0x3FB1] =	sst s9;
	s0 =	simm.s32 @!p0 $0x0  }
0x12: {  	s1 =	sld [smem:$0x3F97];
	s0 =	simm.s32 @p0 $0x1  }
0x13: {  	[smem:$0x3FB2] =	sst s0;
	s0 =	simm.s32 @!p1 $0x0  }
0x14: {  	s2 =	sld [smem:$0x3F96];
	s0 =	simm.s32 @p1 $0x1  }
0x15: {  	[smem:$0x3FB3] =	sst s0;
	s0 =	simm.s32 @!p2 $0x0  }
0x16: {  	s3 =	sld [smem:$0x3FDB];
	s0 =	simm.s32 @p2 $0x1  }
0x17: {  	s4 =	simm.s32 $0x1BF5;
	[smem:$0x3FB5] =	sst s0  }
0x18: {  	s0 =	sld [smem:$0x3F98];
	_ =	swait.ge [sflag:s4], $0x0  }
0x19: {  	s7 =	sld [smem:$0x3F99]  }
0x1a: {  	s8 =	sadd.s32 $0xFFFFE003, lr  }
0x1b: {  	s9 =	sadd.s32 $0xFFFFFEF7, lr;
	s5 =	simm.s32 $0xFFFFFFFF;
	p2 =	slt.u32 s8, $0xFFFFF086  }
0x1c: {  	p1 =	slt.u32 s9, $0xF7A;
	s5 =	simm.s32 @!p2 $0x0  }
0x1d: {  	s5 =	simm.s32 @p1 $0x1;
	p0 =	seq.s32 s7, s2  }
0x1e: {  	s7 =	smul.u32 @!p0 $0xF7A, s2;
	p2 =	seq.s32 @!p0 s5, $0x0  }
0x1f: {  	s9 =	smul.u32 $0xF7A, s1;
	s8 =	simm.s32 @!p0 $0x1BF5;
	p2 =	por !p2, p0  }
0x20: {  	[sflag:s8] =	ssyncset.s32 @!p0 $0xFFFFF086;
	s6 =	sadd.s32 @!p0 s3, s7;
	s7 =	simm.s32 @!p0 $0x108  }
0x21: {  	s3 =	sadd.s32 s3, s9;
	s6 =	sadd.s32 @!p0 $0x88, s6;
	s7 =	simm.s32 @p2 $0x1082  }
0x22: {  	[simem:s7], [sflag:s8] =	dma.local @!p0 [hbm:s6], $0xF7A  }
0x23: {  	s9 =	sor.u32 $0xD0000000, s2;
	s6 =	simm.s32 $0x108;
	_ =	swait.ge @!p0 [sflag:s8], $0x0  }
0x24: {  	s3 =	sadd.s32 $0x88, s3;
	s6 =	simm.s32 @!p1 $0x1082;
	[sflag:s4] =	ssyncset.s32 $0xFFFFF086  }
0x25: {  	[simem:s6], [sflag:s4] =	dma.local [hbm:s3], $0xF7A  }
0x26: {  	[smem:$0x3F99] =	sst s1;
	(tag) =	ssettag s2;
	_ =	strace s9  }
0x27: {  	s1 =	sld [smem:$0x3FA9]  }
0x28: {  	s2 =	sld [smem:$0x3FAA]  }
0x29: {  	s4 =	sld [smem:$0x3FAC]  }
0x2a: {  	p0 =	seq.s32 s5, $0x0;
	s5 =	sld [smem:$0x3FAD]  }
0x2b: {  	s6 =	sld [smem:$0x3FAE]  }
0x2c: {  	s7 =	sld [smem:$0x3FAF]  }
0x2d: {  	s3 =	simm.s32 $0x108;
	s8 =	sld [smem:$0x3FB0]  }
0x2e: {  	s3 =	simm.s32 @!p0 $0x1082;
	s9 =	sld [smem:$0x3FB1]  }
0x2f: {  	lr =	sadd.s32 s0, s3;
	s0 =	sld [smem:$0x3FA8]  }
0x30: {  	s3 =	sld [smem:$0x3FAB]  }
0x31: {  	[smem:$0x3FB4] =	sst s10  }
0x32: {  	s10 =	sld [smem:$0x3FB2];
	_ =	sdelay $0x3  }
0x33: {  	p0 =	seq.s32 s10, $0x1;
	s10 =	sld [smem:$0x3FB4];
	_ =	sdelay $0x3  }
0x34: {  	[smem:$0x3FB4] =	sst s10  }
0x35: {  	s10 =	sld [smem:$0x3FB3];
	_ =	sdelay $0x3  }
0x36: {  	p1 =	seq.s32 s10, $0x1;
	s10 =	sld [smem:$0x3FB4];
	_ =	sdelay $0x3  }
0x37: {  	[smem:$0x3FB4] =	sst s10  }
0x38: {  	s10 =	sld [smem:$0x3FB5]  }
0x39: {  	_ = 	snop;
	(pc) =	sbr.ind lr, $3  }
0x3a: {  	_ = 	snop  }
0x3b: {  	_ = 	snop  }
0x3c: {  	p2 =	seq.s32 s10, $0x1;
	s10 =	sld [smem:$0x3FB4]  }
0x3d: {  	_ =	shalt  }
0x3e: {  	_ =	shalt  }
0x3f: {  	_ =	shalt  }
0x40: {  	_ =	shalt  }
0x41: {  	_ =	shalt  }
0x42: {  	_ =	shalt  }
0x43: {  	_ =	shalt  }
0x44: {  	_ =	shalt  }
0x45: {  	_ =	shalt  }
0x46: {  	_ =	shalt  }
0x47: {  	_ =	shalt  }
0x48: {  	_ =	shalt  }
0x49: {  	_ =	shalt  }
0x4a: {  	_ =	shalt  }
0x4b: {  	_ =	shalt  }
0x4c: {  	_ =	shalt  }
0x4d: {  	_ =	shalt  }
0x4e: {  	_ =	shalt  }
0x4f: {  	_ =	shalt  }
0x50: {  	_ =	shalt  }
0x51: {  	_ =	shalt  }
0x52: {  	_ =	shalt  }
0x53: {  	_ =	shalt  }
0x54: {  	_ =	shalt  }
0x55: {  	_ =	shalt  }
0x56: {  	_ =	shalt  }
0x57: {  	_ =	shalt  }
0x58: {  	_ =	shalt  }
0x59: {  	_ =	shalt  }
0x5a: {  	_ =	shalt  }
0x5b: {  	_ =	shalt  }
0x5c: {  	_ =	shalt  }
0x5d: {  	_ =	shalt  }
0x5e: {  	_ =	shalt  }
0x5f: {  	_ =	shalt  }
0x60: {  	_ =	shalt  }
0x61: {  	_ =	shalt  }
0x62: {  	_ =	shalt  }
0x63: {  	_ =	shalt  }
0x64: {  	_ =	shalt  }
0x65: {  	_ =	shalt  }
0x66: {  	_ =	shalt  }
0x67: {  	_ =	shalt  }
0x68: {  	_ =	shalt  }
0x69: {  	_ =	shalt  }
0x6a: {  	_ =	shalt  }
0x6b: {  	_ =	shalt  }
0x6c: {  	_ =	shalt  }
0x6d: {  	_ =	shalt  }
0x6e: {  	_ =	shalt  }
0x6f: {  	_ =	shalt  }
0x70: {  	_ =	shalt  }
0x71: {  	_ =	shalt  }
0x72: {  	_ =	shalt  }
0x73: {  	_ =	shalt  }
0x74: {  	_ =	shalt  }
0x75: {  	_ =	shalt  }
0x76: {  	_ =	shalt  }
0x77: {  	_ =	shalt  }
0x78: {  	_ =	shalt  }
0x79: {  	_ =	shalt  }
0x7a: {  	_ =	shalt  }
0x7b: {  	_ =	shalt  }
0x7c: {  	_ =	shalt  }
0x7d: {  	_ =	shalt  }
0x7e: {  	_ =	shalt  }
0x7f: {  	_ =	shalt  }
0x80: {  	_ =	shalt  }
0x81: {  	_ =	shalt  }
0x82: {  	_ =	shalt  }
0x83: {  	_ =	shalt  }
0x84: {  	_ =	shalt  }
0x85: {  	_ =	shalt  }
0x86: {  	_ =	shalt  }
0x87: {  	_ =	shalt  }
.Lfunc_end0:
.L_simem_size_0:
called_computation.1_lowered:
.L_overlay_start_0:
0x88: {  	s0 =	sld [smem:$0x3FD9]  }
0x89: {  	s1 =	sld [smem:$0x3FFE];
	_ =	sdelay $0x3  }
0x8a: {  	s0 =	sadd.s32 s1, s0  }
0x8b: {  	[smem:$0x3FC0] =	sst s0  }
0x8c: {  	_ = 	snop  }
0x8d: {  	s0 =	sld [smem:$0x3FD0];
	_ =	sdelay $0x2  }
0x8e: {  	s13 =	simm.s32 $0xA;
	s2 =	simm.s32 $0x10  }
0x8f: {  	[smem:s2], [sflag:s13] =	dma.local [hbm:s0], $0x1  }
0x90: {  	_ =	swait.eq [sflag:s13], $0x1  }
0x91: {  	[sflag:s13] =	ssyncset.done $0x0  }
0x92: {  	s14 =	sld [smem:$0x10];
	[sflag:s13] =	ssyncadd.s32 $0xFFFFFFFF  }
0x93: {  	s15 =	sld [smem:$0x11];
	(tm) =	ssettm $0x1  }
0x94: {  	s16 =	sld [smem:$0x3FFB];
	_ =	sdelay $0x3  }
0x95: {  	_ =	strace s16  }
0x96: {  	s2 =	sld [smem:$0x3FFC];
	_ =	sdelay $0x3  }
0x97: {  	_ =	strace s2  }
0x98: {  	s2 =	sld [smem:$0x3FFD];
	_ =	sdelay $0x3  }
0x99: {  	_ =	strace s2  }
0x9a: {  	_ =	strace $0x8FFFFFFF  }
0x9b: {  	s17 =	sld [smem:$0x3FDB];
	_ =	sdelay $0x1  }
0x9c: {  	s3 =	simm.s32 $_scs_section_size  }
0x9d: {  	s4 =	simm.s32 $_size__tile_overlayer_lowered;
	s5 =	simm.s32 $_tile_overlayer_lowered  }
0x9e: {  	s20 =	simm.s32 $0x1BFF;
	s19 =	sshll.u32 s5, $0x1;
	s2 =	sadd.s32 s3, s17  }
0x9f: {  	s6 =	simm.s32 $0x0;
	s18 =	sshll.u32 s4, $0x1;
	s4 =	sadd.s32 s19, s2  }
0xa0: {  	[timem:s6], [sflag:s20] =	dma.local [hbm:s4], s18  }
0xa1: {  	_ =	swait.ge [sflag:s20], s18  }
0xa2: {  	s3 =	ssub.s32 $0x0, s18;
	[sflag:s20] =	ssyncset.done $0x0  }
0xa3: {  	[sflag:s20] =	ssyncadd.s32 s3;
	_ =	sdelay $0x1  }
0xa4: {  	s21 =	simm.s32 $0x1B8B  }
0xa5: {  	_ =	swait.ge [sflag:s21], $0x1  }
0xa6: {  	[sflag:s21] =	ssyncset.done $0x0  }
0xa7: {  	s23 =	simm.s32 $0x1B8E;
	s22 =	sld [smem:$0x3FFE];
	[sflag:s21] =	ssyncadd.s32 $0xFFFFFFFF  }
0xa8: {  	s24 =	simm.s32 $execute0_lowered;
	[smem:$0x3FD2] =	sst s23  }
0xa9: {  	s4 =	sshll.u32 s24, $0x1;
	_ =	strace $0x80000049;
	[dreg:$0x1] =	wrdreg $0xFFFFFFFF  }
0xaa: {  	s25 =	simm.s32 $_size_execute0_lowered;
	s2 =	sadd.s32 s2, s4;
	[dreg:$0x0] =	wrdreg $0x0  }
0xab: {  	s4 =	sshll.u32 s25, $0x1;
	[dreg:$0x2] =	wrdreg s2  }
0xac: {  	[dreg:$0x3] =	wrdreg s4  }
0xad: {  	[dreg:$0x4] =	wrdreg $0xC0  }
0xae: {  	_ =	task [dreg:s6], $0x5FFFF  }
0xaf: {  	[dreg:$0x1] =	wrdreg $0xFFFFFFFF  }
0xb0: {  	[dreg:$0x0] =	wrdreg $0x60  }
0xb1: {  	[dreg:$0x2] =	wrdreg s22  }
0xb2: {  	[dreg:$0x3] =	wrdreg s15  }
0xb3: {  	[dreg:$0x4] =	wrdreg s14  }
0xb4: {  	[dreg:$0x5] =	wrdreg $0x41000  }
0xb5: {  	[dreg:$0x6] =	wrdreg $0x9  }
0xb6: {  	_ =	task.clear_ibuf [dreg:s6], $0x7FFFF;
	_ =	strace $0x90000049  }
0xb7: {  	s26 =	simm.s32 $0x9;
	_ =	strace $0x8000004B  }
0xb8: {  	_ =	swait.ge [sflag:s26], $0x1  }
0xb9: {  	[sflag:s26] =	ssyncadd.s32 $0xFFFFFFFF  }
0xba: {  	_ =	strace $0x9000004B  }
0xbb: {  	_ =	sfence  }
0xbc: {  	s28 =	sld [smem:$0x0];
	_ =	sdelay $0x1  }
0xbd: {  	s29 =	srdreg.scid  }
0xbe: {  	s30 =	sshll.u32 s29, $0xD;
	s31 =	sshrl.u32 s29, $0x2  }
0xbf: {  	s1 =	sand.u32 $0x1, s29;
	s2 =	sand.u32 $0x4000, s30;
	s0 =	sadd.s32 s31, s28  }
0xc0: {  	s1 =	sor.u32 s2, s1;
	s0 =	sshll.u32 s0, $0x11  }
0xc1: {  	s0 =	sor.u32 s0, s1  }
0xc2: {  	s0 =	sadd.s32 $0x8F2B, s0  }
0xc3: {  	[sflag:s0] =	ssyncadd.remote.s32 $0x1  }
0xc4: {  	_ =	sfence.sel $0xFFFF  }
0xc5: {  	[dreg:$0x0] =	wrdreg $0xFFFFFFFF;
	(pc) =	sbr.abs _section_cstart, $3  }
0xc6: {  	[dreg:$0x1] =	wrdreg $0xFFFFFFFF  }
0xc7: {  	_ =	task.clear_ibuf [dreg:s6], $0x2FFFF;
	_ =	strace $0x9FFFFFFF  }
0xc8: {  	(tm) =	ssettm $0x7FFFFFFF  }
0xc9: {  	_ =	shalt  }
tec
execute0_lowered:
.L_overlay_start_1:
0x0: {  	(tag) =	ssettag $0x1  }
0x1: {  	s10 =	rddreg [dreg:$0x0]  }
0x2: {  	s7 =	rddreg [dreg:$0x1];
	s0 =	stileid.u32  }
0x3: {  	s6 =	rddreg [dreg:$0x2];
	s3 =	smul.u32 $0x50000, s0  }
0x4: {  	s2 =	rddreg [dreg:$0x3]  }
0x5: {  	s1 =	rddreg [dreg:$0x4];
	s5 =	simm.s32 $0x0;
	s3 =	sshrl.u32 s3, $0x2  }
0x6: {  	[smem:$0x7FF] =	sst s5;
	s31 =	sshll.u32 s0, $0x6;
	s4 =	sadd.s32 s3, s2  }
0x7: {  	_ =	strace $0x8000004A;
	s3 =	sor.u32 $0x1C01, s31;
	s4 =	sshrl.u32 s4, $0x3  }
0x8: {  	[spmem:s4], [sflag:s3] =	dma.local [hbm:s6], $0x2800  }
0x9: {  	s6 =	simm.s32 $0x1  }
0xa: {  	s8 =	smul.u32 $0x13A0, s0;
	_ =	swait.ge [sflag:s6], $0x2800  }
0xb: {  	[sflag:s6] =	ssyncset.done $0x0  }
0xc: {  	s11 =	sadd.s32 s8, s7;
	[sflag:s6] =	ssyncadd.s32 $0xFFFFD800  }
0xd: {  	s7 =	sadd.s32 $0x0, s11;
	[bflag:$0x0] =	sbarrier.arrive $0xFFFF  }
0xe: {  	[tilespmem:s5], [sflag:$0x1] =	stream.linear.gather [hbm4b:s7+s5], $0x100, $0x38;
	[tilespmem:$0x18100] =	vst v63  }
0xf: {  	_ =	swait.ge [sflag:s6], $0x100  }
0x10: {  	s9 =	sadd.s32 $0x1C00, s10;
	[sflag:s6] =	ssyncset.done $0x0  }
0x11: {  	s8 =	simm.s32 $0x100;
	s7 =	simm.s32 $0x80;
	[sflag:s6] =	ssyncadd.s32 $0xFFFFFF00  }
0x12: {  	[tilespmem:s8], [sflag:$0x1] =	stream.indirect.gather [hbm4b:s9+s7], $0x80, s5, s7, $0xb8;
	[tilespmem:$0x18100] =	vst v63  }
0x13: {  	_ =	swait.ge [sflag:s6], $0x4000  }
0x14: {  	[sflag:s6] =	ssyncset.done $0x0  }
0x15: {  	[sflag:s6] =	ssyncadd.s32 $0xFFFFC000  }
0x16: {  	[spmem:s2] =	stream.indirect.scatter.add.f32 [tilespmem:s8], [sflag:$0x1], $0x80, s7, s7, $0xb8;
	[tilespmem:$0x18100] =	vst v63  }
0x17: {  	s12 =	simm.s32 $0x20;
	_ =	swait.ge [sflag:s6], $0x4000  }
0x18: {  	s13 =	simm.s32 $0x40;
	s10 =	sadd.s32 $0x50000, s10;
	[sflag:s6] =	ssyncset.done $0x0  }
.LBB2_1:
0x19: {  	s14 =	sadd.s32 s12, s11  }
0x1a: {  	[sflag:s6] =	ssyncadd.s32 $0xFFFFC000;
	s12 =	smov.u32 s13;
	s15 =	sadd.s32 $0x20, s13  }
0x1b: {  	[tilespmem:s5], [sflag:$0x1] =	stream.linear.gather [hbm4b:s14+s5], $0x100, $0x38;
	[tilespmem:$0x18100] =	vst v63  }
0x1c: {  	p0 =	sne.s32 s13, $0x1380;
	_ =	swait.ge [sflag:s6], $0x100  }
0x1d: {  	[sflag:s6] =	ssyncset.done $0x0  }
0x1e: {  	[sflag:s6] =	ssyncadd.s32 $0xFFFFFF00  }
0x1f: {  	[tilespmem:s8], [sflag:$0x1] =	stream.indirect.gather [hbm4b:s9+s7], $0x80, s5, s7, $0xb8;
	[tilespmem:$0x18100] =	vst v63  }
0x20: {  	_ =	swait.ge [sflag:s6], $0x4000  }
.Ltmp0:
0x21: {  	[sflag:s6] =	ssyncset.done $0x0;
	(pc) =	sbr.rel @p0 .LBB2_1-.Ltmp0, $4  }
0x22: {  	[sflag:s6] =	ssyncadd.s32 $0xFFFFC000  }
0x23: {  	[spmem:s2] =	stream.indirect.scatter.add.f32 [tilespmem:s8], [sflag:$0x1], $0x80, s7, s7, $0xb8;
	[tilespmem:$0x18100] =	vst v63  }
0x24: {  	_ =	swait.ge [sflag:s6], $0x4000  }
0x25: {  	s13 =	smov.u32 s15;
	[sflag:s6] =	ssyncset.done $0x0  }
0x26: {  	s11 =	sadd.s32 s12, s11;
	[sflag:s6] =	ssyncadd.s32 $0xFFFFC000  }
0x27: {  	[tilespmem:s5], [sflag:$0x1] =	stream.linear.gather [hbm4b:s11+s5], $0x100, $0x38;
	[tilespmem:$0x18100] =	vst v63  }
0x28: {  	_ =	swait.ge [sflag:s6], $0x100  }
0x29: {  	[sflag:s6] =	ssyncset.done $0x0  }
0x2a: {  	[sflag:s6] =	ssyncadd.s32 $0xFFFFFF00  }
0x2b: {  	[tilespmem:s8], [sflag:$0x1] =	stream.indirect.gather [hbm4b:s9+s7], $0x80, s5, s7, $0xb8;
	[tilespmem:$0x18100] =	vst v63  }
0x2c: {  	_ =	swait.ge [sflag:s6], $0x4000  }
0x2d: {  	[sflag:s6] =	ssyncset.done $0x0  }
0x2e: {  	[sflag:s6] =	ssyncadd.s32 $0xFFFFC000  }
0x2f: {  	[spmem:s2] =	stream.indirect.scatter.add.f32 [tilespmem:s8], [sflag:$0x1], $0x80, s7, s7, $0xb8;
	[tilespmem:$0x18100] =	vst v63  }
0x30: {  	_ =	swait.ge [sflag:s6], $0x4000  }
0x31: {  	s30 =	smul.u32 $0x2800, s0;
	[sflag:s6] =	ssyncset.done $0x0  }
0x32: {  	[sflag:s6] =	ssyncadd.s32 $0xFFFFC000  }
0x33: {  	s31 =	simm.s32 $0x1;
	s2 =	sadd.s32 s10, s30;
	[bflag:$0x0] =	sbarrier.arrive $0xFFFF  }
0x34: {  	[hbm:s2], [sflag:s3] =	dma.local [spmem:s4], $0x2800  }
0x35: {  	_ =	swait.ge [sflag:s31], $0x2800  }
0x36: {  	[sflag:s31] =	ssyncset.done $0x0  }
0x37: {  	[sflag:s31] =	ssyncadd.s32 $0xFFFFD800  }
0x38: {  	_ =	sfence.sel $0x180000  }
0x39: {  	[bflag:$0x0] =	sbarrier.arrive $0xFFFF  }
0x3a: {  	p0 =	sne.s32 s0, $0x0;
	_ =	strace $0x9000004A  }
0x3b: {  	s0 =	sadd.s32 @!p0 $0x100000, s1;
	[bflag:$0x2] =	sbarrier.arrive $0xFFFF  }
0x3c: {  	[sflag:s0] =	ssyncadd.tile.s32 @!p0 $0x1;
	_ =	shalt  }
.Lfunc_end2:
_tile_overlayer_lowered:
.L_overlay_start_2:
0x3d: {  	(tag) =	ssettag $0x2  }
0x3e: {  	s0 =	rddreg [dreg:$0x0];
	s2 =	stileid.u32  }
0x3f: {  	s1 =	rddreg [dreg:$0x1];
	p0 =	sne.s32 s2, $0x0  }
0x40: {  	s3 =	rddreg [dreg:$0x2];
	[bflag:$0x3] =	sbarrier.arrive $0xFFFF;
	s2 =	simm.s32 @!p0 $0x1C01  }
0x41: {  	[timem:s3], [sflag:s2] =	dma.local @!p0 [hbm:s0], s1  }
0x42: {  	s0 =	simm.s32 @!p0 $0x1  }
0x43: {  	_ =	swait.ge @!p0 [sflag:s0], s1  }
0x44: {  	s1 =	ssub.s32 @!p0 $0x0, s1;
	[sflag:s0] =	ssyncset.done @!p0 $0x0  }
0x45: {  	[sflag:s0] =	ssyncadd.s32 @!p0 s1  }
0x46: {  	[bflag:$0x3] =	sbarrier.arrive $0xFFFF  }
0x47: {  	_ =	shalt  }

// kernel: kernel.14.cloned.1.call-start
scs
__scs_entry_jumppad:
0x0: {  	(pc) =	sbr.rel $0x88, $3  }
0x1: {  	(tag) =	ssettag $0x0;
	lr =	simm.s32 $0x1  }
0x2: {  	[smem:$0x3F99] =	sst lr;
	_ =	strace $0xD0000000  }
0x3: {  	_ = 	snop  }
0x4: {  	_ = 	snop  }
0x5: {  	_ = 	snop  }
0x6: {  	_ = 	snop  }
0x7: {  	_ = 	snop  }
__scs_overlays_trampoline_lowered:
0x8: {  	[smem:$0x3FA8] =	sst s0  }
0x9: {  	[smem:$0x3FA9] =	sst s1  }
0xa: {  	[smem:$0x3FAA] =	sst s2  }
0xb: {  	[smem:$0x3FAB] =	sst s3  }
0xc: {  	[smem:$0x3FAC] =	sst s4  }
0xd: {  	[smem:$0x3FAD] =	sst s5  }
0xe: {  	[smem:$0x3FAE] =	sst s6  }
0xf: {  	[smem:$0x3FAF] =	sst s7  }
0x10: {  	[smem:$0x3FB0] =	sst s8  }
0x11: {  	[smem:$0x3FB1] =	sst s9;
	s0 =	simm.s32 @!p0 $0x0  }
0x12: {  	s1 =	sld [smem:$0x3F97];
	s0 =	simm.s32 @p0 $0x1  }
0x13: {  	[smem:$0x3FB2] =	sst s0;
	s0 =	simm.s32 @!p1 $0x0  }
0x14: {  	s2 =	sld [smem:$0x3F96];
	s0 =	simm.s32 @p1 $0x1  }
0x15: {  	[smem:$0x3FB3] =	sst s0;
	s0 =	simm.s32 @!p2 $0x0  }
0x16: {  	s3 =	sld [smem:$0x3FDB];
	s0 =	simm.s32 @p2 $0x1  }
0x17: {  	s4 =	simm.s32 $0x1BF5;
	[smem:$0x3FB5] =	sst s0  }
0x18: {  	s0 =	sld [smem:$0x3F98];
	_ =	swait.ge [sflag:s4], $0x0  }
0x19: {  	s7 =	sld [smem:$0x3F99]  }
0x1a: {  	s8 =	sadd.s32 $0xFFFFE003, lr  }
0x1b: {  	s9 =	sadd.s32 $0xFFFFFEF7, lr;
	s5 =	simm.s32 $0xFFFFFFFF;
	p2 =	slt.u32 s8, $0xFFFFF086  }
0x1c: {  	p1 =	slt.u32 s9, $0xF7A;
	s5 =	simm.s32 @!p2 $0x0  }
0x1d: {  	s5 =	simm.s32 @p1 $0x1;
	p0 =	seq.s32 s7, s2  }
0x1e: {  	s7 =	smul.u32 @!p0 $0xF7A, s2;
	p2 =	seq.s32 @!p0 s5, $0x0  }
0x1f: {  	s9 =	smul.u32 $0xF7A, s1;
	s8 =	simm.s32 @!p0 $0x1BF5;
	p2 =	por !p2, p0  }
0x20: {  	[sflag:s8] =	ssyncset.s32 @!p0 $0xFFFFF086;
	s6 =	sadd.s32 @!p0 s3, s7;
	s7 =	simm.s32 @!p0 $0x108  }
0x21: {  	s3 =	sadd.s32 s3, s9;
	s6 =	sadd.s32 @!p0 $0x88, s6;
	s7 =	simm.s32 @p2 $0x1082  }
0x22: {  	[simem:s7], [sflag:s8] =	dma.local @!p0 [hbm:s6], $0xF7A  }
0x23: {  	s9 =	sor.u32 $0xD0000000, s2;
	s6 =	simm.s32 $0x108;
	_ =	swait.ge @!p0 [sflag:s8], $0x0  }
0x24: {  	s3 =	sadd.s32 $0x88, s3;
	s6 =	simm.s32 @!p1 $0x1082;
	[sflag:s4] =	ssyncset.s32 $0xFFFFF086  }
0x25: {  	[simem:s6], [sflag:s4] =	dma.local [hbm:s3], $0xF7A  }
0x26: {  	[smem:$0x3F99] =	sst s1;
	(tag) =	ssettag s2;
	_ =	strace s9  }
0x27: {  	s1 =	sld [smem:$0x3FA9]  }
0x28: {  	s2 =	sld [smem:$0x3FAA]  }
0x29: {  	s4 =	sld [smem:$0x3FAC]  }
0x2a: {  	p0 =	seq.s32 s5, $0x0;
	s5 =	sld [smem:$0x3FAD]  }
0x2b: {  	s6 =	sld [smem:$0x3FAE]  }
0x2c: {  	s7 =	sld [smem:$0x3FAF]  }
0x2d: {  	s3 =	simm.s32 $0x108;
	s8 =	sld [smem:$0x3FB0]  }
0x2e: {  	s3 =	simm.s32 @!p0 $0x1082;
	s9 =	sld [smem:$0x3FB1]  }
0x2f: {  	lr =	sadd.s32 s0, s3;
	s0 =	sld [smem:$0x3FA8]  }
0x30: {  	s3 =	sld [smem:$0x3FAB]  }
0x31: {  	[smem:$0x3FB4] =	sst s10  }
0x32: {  	s10 =	sld [smem:$0x3FB2];
	_ =	sdelay $0x3  }
0x33: {  	p0 =	seq.s32 s10, $0x1;
	s10 =	sld [smem:$0x3FB4];
	_ =	sdelay $0x3  }
0x34: {  	[smem:$0x3FB4] =	sst s10  }
0x35: {  	s10 =	sld [smem:$0x3FB3];
	_ =	sdelay $0x3  }
0x36: {  	p1 =	seq.s32 s10, $0x1;
	s10 =	sld [smem:$0x3FB4];
	_ =	sdelay $0x3  }
0x37: {  	[smem:$0x3FB4] =	sst s10  }
0x38: {  	s10 =	sld [smem:$0x3FB5]  }
0x39: {  	_ = 	snop;
	(pc) =	sbr.ind lr, $3  }
0x3a: {  	_ = 	snop  }
0x3b: {  	_ = 	snop  }
0x3c: {  	p2 =	seq.s32 s10, $0x1;
	s10 =	sld [smem:$0x3FB4]  }
0x3d: {  	_ =	shalt  }
0x3e: {  	_ =	shalt  }
0x3f: {  	_ =	shalt  }
0x40: {  	_ =	shalt  }
0x41: {  	_ =	shalt  }
0x42: {  	_ =	shalt  }
0x43: {  	_ =	shalt  }
0x44: {  	_ =	shalt  }
0x45: {  	_ =	shalt  }
0x46: {  	_ =	shalt  }
0x47: {  	_ =	shalt  }
0x48: {  	_ =	shalt  }
0x49: {  	_ =	shalt  }
0x4a: {  	_ =	shalt  }
0x4b: {  	_ =	shalt  }
0x4c: {  	_ =	shalt  }
0x4d: {  	_ =	shalt  }
0x4e: {  	_ =	shalt  }
0x4f: {  	_ =	shalt  }
0x50: {  	_ =	shalt  }
0x51: {  	_ =	shalt  }
0x52: {  	_ =	shalt  }
0x53: {  	_ =	shalt  }
0x54: {  	_ =	shalt  }
0x55: {  	_ =	shalt  }
0x56: {  	_ =	shalt  }
0x57: {  	_ =	shalt  }
0x58: {  	_ =	shalt  }
0x59: {  	_ =	shalt  }
0x5a: {  	_ =	shalt  }
0x5b: {  	_ =	shalt  }
0x5c: {  	_ =	shalt  }
0x5d: {  	_ =	shalt  }
0x5e: {  	_ =	shalt  }
0x5f: {  	_ =	shalt  }
0x60: {  	_ =	shalt  }
0x61: {  	_ =	shalt  }
0x62: {  	_ =	shalt  }
0x63: {  	_ =	shalt  }
0x64: {  	_ =	shalt  }
0x65: {  	_ =	shalt  }
0x66: {  	_ =	shalt  }
0x67: {  	_ =	shalt  }
0x68: {  	_ =	shalt  }
0x69: {  	_ =	shalt  }
0x6a: {  	_ =	shalt  }
0x6b: {  	_ =	shalt  }
0x6c: {  	_ =	shalt  }
0x6d: {  	_ =	shalt  }
0x6e: {  	_ =	shalt  }
0x6f: {  	_ =	shalt  }
0x70: {  	_ =	shalt  }
0x71: {  	_ =	shalt  }
0x72: {  	_ =	shalt  }
0x73: {  	_ =	shalt  }
0x74: {  	_ =	shalt  }
0x75: {  	_ =	shalt  }
0x76: {  	_ =	shalt  }
0x77: {  	_ =	shalt  }
0x78: {  	_ =	shalt  }
0x79: {  	_ =	shalt  }
0x7a: {  	_ =	shalt  }
0x7b: {  	_ =	shalt  }
0x7c: {  	_ =	shalt  }
0x7d: {  	_ =	shalt  }
0x7e: {  	_ =	shalt  }
0x7f: {  	_ =	shalt  }
0x80: {  	_ =	shalt  }
0x81: {  	_ =	shalt  }
0x82: {  	_ =	shalt  }
0x83: {  	_ =	shalt  }
0x84: {  	_ =	shalt  }
0x85: {  	_ =	shalt  }
0x86: {  	_ =	shalt  }
0x87: {  	_ =	shalt  }
.Lfunc_end0:
.L_simem_size_0:
called_computation.2_lowered:
.L_overlay_start_0:
0x88: {  	s0 =	sld [smem:$0x3FD9]  }
0x89: {  	s1 =	sld [smem:$0x3FFE];
	_ =	sdelay $0x3  }
0x8a: {  	s0 =	sadd.s32 s1, s0  }
0x8b: {  	[smem:$0x3FC0] =	sst s0  }
0x8c: {  	_ = 	snop  }
0x8d: {  	s0 =	sld [smem:$0x3FD0];
	_ =	sdelay $0x2  }
0x8e: {  	s13 =	simm.s32 $0xA;
	s2 =	simm.s32 $0x10  }
0x8f: {  	[smem:s2], [sflag:s13] =	dma.local [hbm:s0], $0x1  }
0x90: {  	_ =	swait.eq [sflag:s13], $0x1  }
0x91: {  	[sflag:s13] =	ssyncset.done $0x0  }
0x92: {  	s14 =	sld [smem:$0x10];
	[sflag:s13] =	ssyncadd.s32 $0xFFFFFFFF  }
0x93: {  	s15 =	sld [smem:$0x11];
	(tm) =	ssettm $0x1  }
0x94: {  	s16 =	sld [smem:$0x3FFB];
	_ =	sdelay $0x3  }
0x95: {  	_ =	strace s16  }
0x96: {  	s2 =	sld [smem:$0x3FFC];
	_ =	sdelay $0x3  }
0x97: {  	_ =	strace s2  }
0x98: {  	s2 =	sld [smem:$0x3FFD];
	_ =	sdelay $0x3  }
0x99: {  	_ =	strace s2  }
0x9a: {  	_ =	strace $0x8FFFFFFF  }
0x9b: {  	s17 =	sld [smem:$0x3FDB];
	_ =	sdelay $0x1  }
0x9c: {  	s3 =	simm.s32 $_scs_section_size  }
0x9d: {  	s4 =	simm.s32 $_size__tile_overlayer_lowered;
	s5 =	simm.s32 $_tile_overlayer_lowered  }
0x9e: {  	s20 =	simm.s32 $0x1BFF;
	s19 =	sshll.u32 s5, $0x1;
	s2 =	sadd.s32 s3, s17  }
0x9f: {  	s6 =	simm.s32 $0x0;
	s18 =	sshll.u32 s4, $0x1;
	s4 =	sadd.s32 s19, s2  }
0xa0: {  	[timem:s6], [sflag:s20] =	dma.local [hbm:s4], s18  }
0xa1: {  	_ =	swait.ge [sflag:s20], s18  }
0xa2: {  	s3 =	ssub.s32 $0x0, s18;
	[sflag:s20] =	ssyncset.done $0x0  }
0xa3: {  	[sflag:s20] =	ssyncadd.s32 s3;
	_ =	sdelay $0x1  }
0xa4: {  	s21 =	simm.s32 $0x1B8B  }
0xa5: {  	_ =	swait.ge [sflag:s21], $0x1  }
0xa6: {  	[sflag:s21] =	ssyncset.done $0x0  }
0xa7: {  	s23 =	simm.s32 $0x1B8E;
	s22 =	sld [smem:$0x3FFE];
	[sflag:s21] =	ssyncadd.s32 $0xFFFFFFFF  }
0xa8: {  	s24 =	simm.s32 $execute0_lowered;
	[smem:$0x3FD2] =	sst s23  }
0xa9: {  	s4 =	sshll.u32 s24, $0x1;
	_ =	strace $0x8000004C;
	[dreg:$0x1] =	wrdreg $0xFFFFFFFF  }
0xaa: {  	s25 =	simm.s32 $_size_execute0_lowered;
	s2 =	sadd.s32 s2, s4;
	[dreg:$0x0] =	wrdreg $0x0  }
0xab: {  	s4 =	sshll.u32 s25, $0x1;
	[dreg:$0x2] =	wrdreg s2  }
0xac: {  	[dreg:$0x3] =	wrdreg s4  }
0xad: {  	[dreg:$0x4] =	wrdreg $0xC0  }
0xae: {  	_ =	task [dreg:s6], $0x5FFFF  }
0xaf: {  	[dreg:$0x1] =	wrdreg $0xFFFFFFFF  }
0xb0: {  	[dreg:$0x0] =	wrdreg $0x60  }
0xb1: {  	[dreg:$0x2] =	wrdreg s22  }
0xb2: {  	[dreg:$0x3] =	wrdreg s15  }
0xb3: {  	[dreg:$0x4] =	wrdreg s14  }
0xb4: {  	[dreg:$0x5] =	wrdreg $0x41000  }
0xb5: {  	[dreg:$0x6] =	wrdreg $0x9  }
0xb6: {  	_ =	task.clear_ibuf [dreg:s6], $0x7FFFF;
	_ =	strace $0x9000004C  }
0xb7: {  	s26 =	simm.s32 $0x9;
	_ =	strace $0x8000004E  }
0xb8: {  	_ =	swait.ge [sflag:s26], $0x1  }
0xb9: {  	[sflag:s26] =	ssyncadd.s32 $0xFFFFFFFF  }
0xba: {  	_ =	strace $0x9000004E  }
0xbb: {  	_ =	sfence  }
0xbc: {  	s28 =	sld [smem:$0x0];
	_ =	sdelay $0x1  }
0xbd: {  	s29 =	srdreg.scid  }
0xbe: {  	s30 =	sshll.u32 s29, $0xD;
	s31 =	sshrl.u32 s29, $0x2  }
0xbf: {  	s1 =	sand.u32 $0x1, s29;
	s2 =	sand.u32 $0x4000, s30;
	s0 =	sadd.s32 s31, s28  }
0xc0: {  	s1 =	sor.u32 s2, s1;
	s0 =	sshll.u32 s0, $0x11  }
0xc1: {  	s0 =	sor.u32 s0, s1  }
0xc2: {  	s0 =	sadd.s32 $0x8F2B, s0  }
0xc3: {  	[sflag:s0] =	ssyncadd.remote.s32 $0x1  }
0xc4: {  	_ =	sfence.sel $0xFFFF  }
0xc5: {  	[dreg:$0x0] =	wrdreg $0xFFFFFFFF;
	(pc) =	sbr.abs _section_cstart, $3  }
0xc6: {  	[dreg:$0x1] =	wrdreg $0xFFFFFFFF  }
0xc7: {  	_ =	task.clear_ibuf [dreg:s6], $0x2FFFF;
	_ =	strace $0x9FFFFFFF  }
0xc8: {  	(tm) =	ssettm $0x7FFFFFFF  }
0xc9: {  	_ =	shalt  }
tec
execute0_lowered:
.L_overlay_start_1:
0x0: {  	(tag) =	ssettag $0x1  }
0x1: {  	s10 =	rddreg [dreg:$0x0]  }
0x2: {  	s7 =	rddreg [dreg:$0x1];
	s0 =	stileid.u32  }
0x3: {  	s6 =	rddreg [dreg:$0x2];
	s3 =	smul.u32 $0x50000, s0  }
0x4: {  	s2 =	rddreg [dreg:$0x3]  }
0x5: {  	s1 =	rddreg [dreg:$0x4];
	s5 =	simm.s32 $0x0;
	s3 =	sshrl.u32 s3, $0x2  }
0x6: {  	[smem:$0x7FF] =	sst s5;
	s31 =	sshll.u32 s0, $0x6;
	s4 =	sadd.s32 s3, s2  }
0x7: {  	_ =	strace $0x8000004D;
	s3 =	sor.u32 $0x1C01, s31;
	s4 =	sshrl.u32 s4, $0x3  }
0x8: {  	[spmem:s4], [sflag:s3] =	dma.local [hbm:s6], $0x2800  }
0x9: {  	s6 =	simm.s32 $0x1  }
0xa: {  	s8 =	smul.u32 $0x13A0, s0;
	_ =	swait.ge [sflag:s6], $0x2800  }
0xb: {  	[sflag:s6] =	ssyncset.done $0x0  }
0xc: {  	s11 =	sadd.s32 s8, s7;
	[sflag:s6] =	ssyncadd.s32 $0xFFFFD800  }
0xd: {  	s7 =	sadd.s32 $0x0, s11;
	[bflag:$0x0] =	sbarrier.arrive $0xFFFF  }
0xe: {  	[tilespmem:s5], [sflag:$0x1] =	stream.linear.gather [hbm4b:s7+s5], $0x100, $0x38;
	[tilespmem:$0x18100] =	vst v63  }
0xf: {  	_ =	swait.ge [sflag:s6], $0x100  }
0x10: {  	s9 =	sadd.s32 $0x1C00, s10;
	[sflag:s6] =	ssyncset.done $0x0  }
0x11: {  	s8 =	simm.s32 $0x100;
	s7 =	simm.s32 $0x80;
	[sflag:s6] =	ssyncadd.s32 $0xFFFFFF00  }
0x12: {  	[tilespmem:s8], [sflag:$0x1] =	stream.indirect.gather [hbm4b:s9+s7], $0x80, s5, s7, $0xb8;
	[tilespmem:$0x18100] =	vst v63  }
0x13: {  	_ =	swait.ge [sflag:s6], $0x4000  }
0x14: {  	[sflag:s6] =	ssyncset.done $0x0  }
0x15: {  	[sflag:s6] =	ssyncadd.s32 $0xFFFFC000  }
0x16: {  	[spmem:s2] =	stream.indirect.scatter.add.f32 [tilespmem:s8], [sflag:$0x1], $0x80, s7, s7, $0xb8;
	[tilespmem:$0x18100] =	vst v63  }
0x17: {  	s12 =	simm.s32 $0x20;
	_ =	swait.ge [sflag:s6], $0x4000  }
0x18: {  	s13 =	simm.s32 $0x40;
	s10 =	sadd.s32 $0x50000, s10;
	[sflag:s6] =	ssyncset.done $0x0  }
.LBB2_1:
0x19: {  	s14 =	sadd.s32 s12, s11  }
0x1a: {  	[sflag:s6] =	ssyncadd.s32 $0xFFFFC000;
	s12 =	smov.u32 s13;
	s15 =	sadd.s32 $0x20, s13  }
0x1b: {  	[tilespmem:s5], [sflag:$0x1] =	stream.linear.gather [hbm4b:s14+s5], $0x100, $0x38;
	[tilespmem:$0x18100] =	vst v63  }
0x1c: {  	p0 =	sne.s32 s13, $0x1380;
	_ =	swait.ge [sflag:s6], $0x100  }
0x1d: {  	[sflag:s6] =	ssyncset.done $0x0  }
0x1e: {  	[sflag:s6] =	ssyncadd.s32 $0xFFFFFF00  }
0x1f: {  	[tilespmem:s8], [sflag:$0x1] =	stream.indirect.gather [hbm4b:s9+s7], $0x80, s5, s7, $0xb8;
	[tilespmem:$0x18100] =	vst v63  }
0x20: {  	_ =	swait.ge [sflag:s6], $0x4000  }
.Ltmp0:
0x21: {  	[sflag:s6] =	ssyncset.done $0x0;
	(pc) =	sbr.rel @p0 .LBB2_1-.Ltmp0, $4  }
0x22: {  	[sflag:s6] =	ssyncadd.s32 $0xFFFFC000  }
0x23: {  	[spmem:s2] =	stream.indirect.scatter.add.f32 [tilespmem:s8], [sflag:$0x1], $0x80, s7, s7, $0xb8;
	[tilespmem:$0x18100] =	vst v63  }
0x24: {  	_ =	swait.ge [sflag:s6], $0x4000  }
0x25: {  	s13 =	smov.u32 s15;
	[sflag:s6] =	ssyncset.done $0x0  }
0x26: {  	s11 =	sadd.s32 s12, s11;
	[sflag:s6] =	ssyncadd.s32 $0xFFFFC000  }
0x27: {  	[tilespmem:s5], [sflag:$0x1] =	stream.linear.gather [hbm4b:s11+s5], $0x100, $0x38;
	[tilespmem:$0x18100] =	vst v63  }
0x28: {  	_ =	swait.ge [sflag:s6], $0x100  }
0x29: {  	[sflag:s6] =	ssyncset.done $0x0  }
0x2a: {  	[sflag:s6] =	ssyncadd.s32 $0xFFFFFF00  }
0x2b: {  	[tilespmem:s8], [sflag:$0x1] =	stream.indirect.gather [hbm4b:s9+s7], $0x80, s5, s7, $0xb8;
	[tilespmem:$0x18100] =	vst v63  }
0x2c: {  	_ =	swait.ge [sflag:s6], $0x4000  }
0x2d: {  	[sflag:s6] =	ssyncset.done $0x0  }
0x2e: {  	[sflag:s6] =	ssyncadd.s32 $0xFFFFC000  }
0x2f: {  	[spmem:s2] =	stream.indirect.scatter.add.f32 [tilespmem:s8], [sflag:$0x1], $0x80, s7, s7, $0xb8;
	[tilespmem:$0x18100] =	vst v63  }
0x30: {  	_ =	swait.ge [sflag:s6], $0x4000  }
0x31: {  	s30 =	smul.u32 $0x2800, s0;
	[sflag:s6] =	ssyncset.done $0x0  }
0x32: {  	[sflag:s6] =	ssyncadd.s32 $0xFFFFC000  }
0x33: {  	s31 =	simm.s32 $0x1;
	s2 =	sadd.s32 s10, s30;
	[bflag:$0x0] =	sbarrier.arrive $0xFFFF  }
0x34: {  	[hbm:s2], [sflag:s3] =	dma.local [spmem:s4], $0x2800  }
0x35: {  	_ =	swait.ge [sflag:s31], $0x2800  }
0x36: {  	[sflag:s31] =	ssyncset.done $0x0  }
0x37: {  	[sflag:s31] =	ssyncadd.s32 $0xFFFFD800  }
0x38: {  	_ =	sfence.sel $0x180000  }
0x39: {  	[bflag:$0x0] =	sbarrier.arrive $0xFFFF  }
0x3a: {  	p0 =	sne.s32 s0, $0x0;
	_ =	strace $0x9000004D  }
0x3b: {  	s0 =	sadd.s32 @!p0 $0x100000, s1;
	[bflag:$0x2] =	sbarrier.arrive $0xFFFF  }
0x3c: {  	[sflag:s0] =	ssyncadd.tile.s32 @!p0 $0x1;
	_ =	shalt  }
.Lfunc_end2:
_tile_overlayer_lowered:
.L_overlay_start_2:
0x3d: {  	(tag) =	ssettag $0x2  }
0x3e: {  	s0 =	rddreg [dreg:$0x0];
	s2 =	stileid.u32  }
0x3f: {  	s1 =	rddreg [dreg:$0x1];
	p0 =	sne.s32 s2, $0x0  }
0x40: {  	s3 =	rddreg [dreg:$0x2];
	[bflag:$0x3] =	sbarrier.arrive $0xFFFF;
	s2 =	simm.s32 @!p0 $0x1C01  }
0x41: {  	[timem:s3], [sflag:s2] =	dma.local @!p0 [hbm:s0], s1  }
0x42: {  	s0 =	simm.s32 @!p0 $0x1  }
0x43: {  	_ =	swait.ge @!p0 [sflag:s0], s1  }
0x44: {  	s1 =	ssub.s32 @!p0 $0x0, s1;
	[sflag:s0] =	ssyncset.done @!p0 $0x0  }
0x45: {  	[sflag:s0] =	ssyncadd.s32 @!p0 s1  }
0x46: {  	[bflag:$0x3] =	sbarrier.arrive $0xFFFF  }
0x47: {  	_ =	shalt  }

// kernel: kernel.8.cloned.1.call-start
scs
__scs_entry_jumppad:
0x0: {  	(pc) =	sbr.rel $0x88, $3  }
0x1: {  	(tag) =	ssettag $0x0;
	lr =	simm.s32 $0x1  }
0x2: {  	[smem:$0x3F99] =	sst lr;
	_ =	strace $0xD0000000  }
0x3: {  	_ = 	snop  }
0x4: {  	_ = 	snop  }
0x5: {  	_ = 	snop  }
0x6: {  	_ = 	snop  }
0x7: {  	_ = 	snop  }
__scs_overlays_trampoline_lowered:
0x8: {  	[smem:$0x3FA8] =	sst s0  }
0x9: {  	[smem:$0x3FA9] =	sst s1  }
0xa: {  	[smem:$0x3FAA] =	sst s2  }
0xb: {  	[smem:$0x3FAB] =	sst s3  }
0xc: {  	[smem:$0x3FAC] =	sst s4  }
0xd: {  	[smem:$0x3FAD] =	sst s5  }
0xe: {  	[smem:$0x3FAE] =	sst s6  }
0xf: {  	[smem:$0x3FAF] =	sst s7  }
0x10: {  	[smem:$0x3FB0] =	sst s8  }
0x11: {  	[smem:$0x3FB1] =	sst s9;
	s0 =	simm.s32 @!p0 $0x0  }
0x12: {  	s1 =	sld [smem:$0x3F97];
	s0 =	simm.s32 @p0 $0x1  }
0x13: {  	[smem:$0x3FB2] =	sst s0;
	s0 =	simm.s32 @!p1 $0x0  }
0x14: {  	s2 =	sld [smem:$0x3F96];
	s0 =	simm.s32 @p1 $0x1  }
0x15: {  	[smem:$0x3FB3] =	sst s0;
	s0 =	simm.s32 @!p2 $0x0  }
0x16: {  	s3 =	sld [smem:$0x3FDB];
	s0 =	simm.s32 @p2 $0x1  }
0x17: {  	s4 =	simm.s32 $0x1BF5;
	[smem:$0x3FB5] =	sst s0  }
0x18: {  	s0 =	sld [smem:$0x3F98];
	_ =	swait.ge [sflag:s4], $0x0  }
0x19: {  	s7 =	sld [smem:$0x3F99]  }
0x1a: {  	s8 =	sadd.s32 $0xFFFFE003, lr  }
0x1b: {  	s9 =	sadd.s32 $0xFFFFFEF7, lr;
	s5 =	simm.s32 $0xFFFFFFFF;
	p2 =	slt.u32 s8, $0xFFFFF086  }
0x1c: {  	p1 =	slt.u32 s9, $0xF7A;
	s5 =	simm.s32 @!p2 $0x0  }
0x1d: {  	s5 =	simm.s32 @p1 $0x1;
	p0 =	seq.s32 s7, s2  }
0x1e: {  	s7 =	smul.u32 @!p0 $0xF7A, s2;
	p2 =	seq.s32 @!p0 s5, $0x0  }
0x1f: {  	s9 =	smul.u32 $0xF7A, s1;
	s8 =	simm.s32 @!p0 $0x1BF5;
	p2 =	por !p2, p0  }
0x20: {  	[sflag:s8] =	ssyncset.s32 @!p0 $0xFFFFF086;
	s6 =	sadd.s32 @!p0 s3, s7;
	s7 =	simm.s32 @!p0 $0x108  }
0x21: {  	s3 =	sadd.s32 s3, s9;
	s6 =	sadd.s32 @!p0 $0x88, s6;
	s7 =	simm.s32 @p2 $0x1082  }
0x22: {  	[simem:s7], [sflag:s8] =	dma.local @!p0 [hbm:s6], $0xF7A  }
0x23: {  	s9 =	sor.u32 $0xD0000000, s2;
	s6 =	simm.s32 $0x108;
	_ =	swait.ge @!p0 [sflag:s8], $0x0  }
0x24: {  	s3 =	sadd.s32 $0x88, s3;
	s6 =	simm.s32 @!p1 $0x1082;
	[sflag:s4] =	ssyncset.s32 $0xFFFFF086  }
0x25: {  	[simem:s6], [sflag:s4] =	dma.local [hbm:s3], $0xF7A  }
0x26: {  	[smem:$0x3F99] =	sst s1;
	(tag) =	ssettag s2;
	_ =	strace s9  }
0x27: {  	s1 =	sld [smem:$0x3FA9]  }
0x28: {  	s2 =	sld [smem:$0x3FAA]  }
0x29: {  	s4 =	sld [smem:$0x3FAC]  }
0x2a: {  	p0 =	seq.s32 s5, $0x0;
	s5 =	sld [smem:$0x3FAD]  }
0x2b: {  	s6 =	sld [smem:$0x3FAE]  }
0x2c: {  	s7 =	sld [smem:$0x3FAF]  }
0x2d: {  	s3 =	simm.s32 $0x108;
	s8 =	sld [smem:$0x3FB0]  }
0x2e: {  	s3 =	simm.s32 @!p0 $0x1082;
	s9 =	sld [smem:$0x3FB1]  }
0x2f: {  	lr =	sadd.s32 s0, s3;
	s0 =	sld [smem:$0x3FA8]  }
0x30: {  	s3 =	sld [smem:$0x3FAB]  }
0x31: {  	[smem:$0x3FB4] =	sst s10  }
0x32: {  	s10 =	sld [smem:$0x3FB2];
	_ =	sdelay $0x3  }
0x33: {  	p0 =	seq.s32 s10, $0x1;
	s10 =	sld [smem:$0x3FB4];
	_ =	sdelay $0x3  }
0x34: {  	[smem:$0x3FB4] =	sst s10  }
0x35: {  	s10 =	sld [smem:$0x3FB3];
	_ =	sdelay $0x3  }
0x36: {  	p1 =	seq.s32 s10, $0x1;
	s10 =	sld [smem:$0x3FB4];
	_ =	sdelay $0x3  }
0x37: {  	[smem:$0x3FB4] =	sst s10  }
0x38: {  	s10 =	sld [smem:$0x3FB5]  }
0x39: {  	_ = 	snop;
	(pc) =	sbr.ind lr, $3  }
0x3a: {  	_ = 	snop  }
0x3b: {  	_ = 	snop  }
0x3c: {  	p2 =	seq.s32 s10, $0x1;
	s10 =	sld [smem:$0x3FB4]  }
0x3d: {  	_ =	shalt  }
0x3e: {  	_ =	shalt  }
0x3f: {  	_ =	shalt  }
0x40: {  	_ =	shalt  }
0x41: {  	_ =	shalt  }
0x42: {  	_ =	shalt  }
0x43: {  	_ =	shalt  }
0x44: {  	_ =	shalt  }
0x45: {  	_ =	shalt  }
0x46: {  	_ =	shalt  }
0x47: {  	_ =	shalt  }
0x48: {  	_ =	shalt  }
0x49: {  	_ =	shalt  }
0x4a: {  	_ =	shalt  }
0x4b: {  	_ =	shalt  }
0x4c: {  	_ =	shalt  }
0x4d: {  	_ =	shalt  }
0x4e: {  	_ =	shalt  }
0x4f: {  	_ =	shalt  }
0x50: {  	_ =	shalt  }
0x51: {  	_ =	shalt  }
0x52: {  	_ =	shalt  }
0x53: {  	_ =	shalt  }
0x54: {  	_ =	shalt  }
0x55: {  	_ =	shalt  }
0x56: {  	_ =	shalt  }
0x57: {  	_ =	shalt  }
0x58: {  	_ =	shalt  }
0x59: {  	_ =	shalt  }
0x5a: {  	_ =	shalt  }
0x5b: {  	_ =	shalt  }
0x5c: {  	_ =	shalt  }
0x5d: {  	_ =	shalt  }
0x5e: {  	_ =	shalt  }
0x5f: {  	_ =	shalt  }
0x60: {  	_ =	shalt  }
0x61: {  	_ =	shalt  }
0x62: {  	_ =	shalt  }
0x63: {  	_ =	shalt  }
0x64: {  	_ =	shalt  }
0x65: {  	_ =	shalt  }
0x66: {  	_ =	shalt  }
0x67: {  	_ =	shalt  }
0x68: {  	_ =	shalt  }
0x69: {  	_ =	shalt  }
0x6a: {  	_ =	shalt  }
0x6b: {  	_ =	shalt  }
0x6c: {  	_ =	shalt  }
0x6d: {  	_ =	shalt  }
0x6e: {  	_ =	shalt  }
0x6f: {  	_ =	shalt  }
0x70: {  	_ =	shalt  }
0x71: {  	_ =	shalt  }
0x72: {  	_ =	shalt  }
0x73: {  	_ =	shalt  }
0x74: {  	_ =	shalt  }
0x75: {  	_ =	shalt  }
0x76: {  	_ =	shalt  }
0x77: {  	_ =	shalt  }
0x78: {  	_ =	shalt  }
0x79: {  	_ =	shalt  }
0x7a: {  	_ =	shalt  }
0x7b: {  	_ =	shalt  }
0x7c: {  	_ =	shalt  }
0x7d: {  	_ =	shalt  }
0x7e: {  	_ =	shalt  }
0x7f: {  	_ =	shalt  }
0x80: {  	_ =	shalt  }
0x81: {  	_ =	shalt  }
0x82: {  	_ =	shalt  }
0x83: {  	_ =	shalt  }
0x84: {  	_ =	shalt  }
0x85: {  	_ =	shalt  }
0x86: {  	_ =	shalt  }
0x87: {  	_ =	shalt  }
.Lfunc_end0:
.L_simem_size_0:
called_computation_lowered:
.L_overlay_start_0:
0x88: {  	s0 =	sld [smem:$0x3FD9]  }
0x89: {  	s1 =	sld [smem:$0x3FFE];
	_ =	sdelay $0x3  }
0x8a: {  	s0 =	sadd.s32 s1, s0  }
0x8b: {  	[smem:$0x3FC0] =	sst s0  }
0x8c: {  	_ = 	snop  }
0x8d: {  	s0 =	sld [smem:$0x3FD0];
	_ =	sdelay $0x2  }
0x8e: {  	s13 =	simm.s32 $0xA;
	s2 =	simm.s32 $0x10  }
0x8f: {  	[smem:s2], [sflag:s13] =	dma.local [hbm:s0], $0x1  }
0x90: {  	_ =	swait.eq [sflag:s13], $0x1  }
0x91: {  	[sflag:s13] =	ssyncset.done $0x0  }
0x92: {  	s14 =	sld [smem:$0x10];
	[sflag:s13] =	ssyncadd.s32 $0xFFFFFFFF  }
0x93: {  	s15 =	sld [smem:$0x11];
	(tm) =	ssettm $0x1  }
0x94: {  	s16 =	sld [smem:$0x3FFB];
	_ =	sdelay $0x3  }
0x95: {  	_ =	strace s16  }
0x96: {  	s2 =	sld [smem:$0x3FFC];
	_ =	sdelay $0x3  }
0x97: {  	_ =	strace s2  }
0x98: {  	s2 =	sld [smem:$0x3FFD];
	_ =	sdelay $0x3  }
0x99: {  	_ =	strace s2  }
0x9a: {  	_ =	strace $0x8FFFFFFF  }
0x9b: {  	s17 =	sld [smem:$0x3FDB];
	_ =	sdelay $0x1  }
0x9c: {  	s3 =	simm.s32 $_scs_section_size  }
0x9d: {  	s4 =	simm.s32 $_size__tile_overlayer_lowered;
	s5 =	simm.s32 $_tile_overlayer_lowered  }
0x9e: {  	s20 =	simm.s32 $0x1BFF;
	s19 =	sshll.u32 s5, $0x1;
	s2 =	sadd.s32 s3, s17  }
0x9f: {  	s6 =	simm.s32 $0x0;
	s18 =	sshll.u32 s4, $0x1;
	s4 =	sadd.s32 s19, s2  }
0xa0: {  	[timem:s6], [sflag:s20] =	dma.local [hbm:s4], s18  }
0xa1: {  	_ =	swait.ge [sflag:s20], s18  }
0xa2: {  	s3 =	ssub.s32 $0x0, s18;
	[sflag:s20] =	ssyncset.done $0x0  }
0xa3: {  	[sflag:s20] =	ssyncadd.s32 s3;
	_ =	sdelay $0x1  }
0xa4: {  	s21 =	simm.s32 $0x1B8B  }
0xa5: {  	_ =	swait.ge [sflag:s21], $0x1  }
0xa6: {  	[sflag:s21] =	ssyncset.done $0x0  }
0xa7: {  	s23 =	simm.s32 $0x1B8E;
	s22 =	sld [smem:$0x3FFE];
	[sflag:s21] =	ssyncadd.s32 $0xFFFFFFFF  }
0xa8: {  	s24 =	simm.s32 $execute0_lowered;
	[smem:$0x3FD2] =	sst s23  }
0xa9: {  	s4 =	sshll.u32 s24, $0x1;
	_ =	strace $0x80000046;
	[dreg:$0x1] =	wrdreg $0xFFFFFFFF  }
0xaa: {  	s25 =	simm.s32 $_size_execute0_lowered;
	s2 =	sadd.s32 s2, s4;
	[dreg:$0x0] =	wrdreg $0x0  }
0xab: {  	s4 =	sshll.u32 s25, $0x1;
	[dreg:$0x2] =	wrdreg s2  }
0xac: {  	[dreg:$0x3] =	wrdreg s4  }
0xad: {  	[dreg:$0x4] =	wrdreg $0xC0  }
0xae: {  	_ =	task [dreg:s6], $0x5FFFF  }
0xaf: {  	[dreg:$0x1] =	wrdreg $0xFFFFFFFF  }
0xb0: {  	[dreg:$0x0] =	wrdreg $0x60  }
0xb1: {  	[dreg:$0x2] =	wrdreg s15  }
0xb2: {  	[dreg:$0x3] =	wrdreg s22  }
0xb3: {  	[dreg:$0x4] =	wrdreg s14  }
0xb4: {  	[dreg:$0x5] =	wrdreg $0x41000  }
0xb5: {  	[dreg:$0x6] =	wrdreg $0x9  }
0xb6: {  	_ =	task.clear_ibuf [dreg:s6], $0x7FFFF;
	_ =	strace $0x90000046  }
0xb7: {  	s26 =	simm.s32 $0x9;
	_ =	strace $0x80000048  }
0xb8: {  	_ =	swait.ge [sflag:s26], $0x1  }
0xb9: {  	[sflag:s26] =	ssyncadd.s32 $0xFFFFFFFF  }
0xba: {  	_ =	strace $0x90000048  }
0xbb: {  	_ =	sfence  }
0xbc: {  	s28 =	sld [smem:$0x0];
	_ =	sdelay $0x1  }
0xbd: {  	s29 =	srdreg.scid  }
0xbe: {  	s30 =	sshll.u32 s29, $0xD;
	s31 =	sshrl.u32 s29, $0x2  }
0xbf: {  	s1 =	sand.u32 $0x1, s29;
	s2 =	sand.u32 $0x4000, s30;
	s0 =	sadd.s32 s31, s28  }
0xc0: {  	s1 =	sor.u32 s2, s1;
	s0 =	sshll.u32 s0, $0x11  }
0xc1: {  	s0 =	sor.u32 s0, s1  }
0xc2: {  	s0 =	sadd.s32 $0x8F2B, s0  }
0xc3: {  	[sflag:s0] =	ssyncadd.remote.s32 $0x1  }
0xc4: {  	_ =	sfence.sel $0xFFFF  }
0xc5: {  	[dreg:$0x0] =	wrdreg $0xFFFFFFFF;
	(pc) =	sbr.abs _section_cstart, $3  }
0xc6: {  	[dreg:$0x1] =	wrdreg $0xFFFFFFFF  }
0xc7: {  	_ =	task.clear_ibuf [dreg:s6], $0x2FFFF;
	_ =	strace $0x9FFFFFFF  }
0xc8: {  	(tm) =	ssettm $0x7FFFFFFF  }
0xc9: {  	_ =	shalt  }
tec
execute0_lowered:
.L_overlay_start_1:
0x0: {  	(tag) =	ssettag $0x1  }
0x1: {  	s8 =	rddreg [dreg:$0x0]  }
0x2: {  	s11 =	rddreg [dreg:$0x1]  }
0x3: {  	s9 =	rddreg [dreg:$0x2]  }
0x4: {  	s2 =	rddreg [dreg:$0x3]  }
0x5: {  	s0 =	rddreg [dreg:$0x4];
	s3 =	simm.s32 $0x0  }
0x6: {  	s1 =	stileid.u32;
	s5 =	simm.s32 $0x100;
	[smem:$0x7FF] =	sst s3  }
0x7: {  	s4 =	sadd.s32 $0x1C00, s11;
	s6 =	smul.u32 $0x50000, s1;
	_ =	strace $0x80000047  }
0x8: {  	[tilespmem:s5], [sflag:$0x1] =	stream.linear.gather [hbm4b:s4+s3], $0x4000, $0x38;
	[tilespmem:$0x18100] =	vst v63  }
0x9: {  	s4 =	simm.s32 $0x1  }
0xa: {  	s6 =	sshrl.u32 s6, $0x2;
	_ =	swait.ge [sflag:s4], $0x4000  }
0xb: {  	s30 =	sshll.u32 s1, $0x6;
	s7 =	sadd.s32 s6, s2;
	[sflag:s4] =	ssyncset.done $0x0  }
0xc: {  	s6 =	sor.u32 $0x1C01, s30;
	s7 =	sshrl.u32 s7, $0x3;
	[sflag:s4] =	ssyncadd.s32 $0xFFFFC000  }
0xd: {  	[spmem:s7], [sflag:s6] =	dma.local [hbm:s9], $0x2800  }
0xe: {  	s31 =	smul.u32 $0x13A0, s1;
	_ =	swait.ge [sflag:s4], $0x2800  }
0xf: {  	[sflag:s4] =	ssyncset.done $0x0  }
0x10: {  	s9 =	sadd.s32 s31, s8;
	[sflag:s4] =	ssyncadd.s32 $0xFFFFD800  }
0x11: {  	s8 =	sadd.s32 $0x0, s9;
	[bflag:$0x0] =	sbarrier.arrive $0xFFFF  }
0x12: {  	[tilespmem:s3], [sflag:$0x1] =	stream.linear.gather [hbm4b:s8+s3], $0x100, $0x38;
	[tilespmem:$0x18100] =	vst v63  }
0x13: {  	_ =	swait.ge [sflag:s4], $0x100  }
0x14: {  	[sflag:s4] =	ssyncset.done $0x0  }
0x15: {  	s10 =	simm.s32 $0x80;
	[sflag:s4] =	ssyncadd.s32 $0xFFFFFF00  }
0x16: {  	[spmem:s2] =	stream.indirect.scatter.add.f32 [tilespmem:s5], [sflag:$0x1], $0x80, s10, s10, $0xb8;
	[tilespmem:$0x18100] =	vst v63  }
0x17: {  	s12 =	simm.s32 $0x40;
	_ =	swait.ge [sflag:s4], $0x4000  }
0x18: {  	s8 =	sadd.s32 $0x2400, s11;
	s11 =	simm.s32 $0x20;
	[sflag:s4] =	ssyncset.done $0x0  }
.LBB2_1:
0x19: {  	s13 =	sadd.s32 s11, s9  }
0x1a: {  	[sflag:s4] =	ssyncadd.s32 $0xFFFFC000;
	s11 =	smov.u32 s12;
	s14 =	sadd.s32 $0x20, s12  }
0x1b: {  	[tilespmem:s3], [sflag:$0x1] =	stream.linear.gather [hbm4b:s13+s3], $0x100, $0x38;
	[tilespmem:$0x18100] =	vst v63  }
0x1c: {  	p0 =	sne.s32 s12, $0x1380;
	_ =	swait.ge [sflag:s4], $0x100  }
.Ltmp0:
0x1d: {  	[sflag:s4] =	ssyncset.done $0x0;
	(pc) =	sbr.rel @p0 .LBB2_1-.Ltmp0, $4  }
0x1e: {  	[sflag:s4] =	ssyncadd.s32 $0xFFFFFF00  }
0x1f: {  	[spmem:s2] =	stream.indirect.scatter.add.f32 [tilespmem:s5], [sflag:$0x1], $0x80, s10, s10, $0xb8;
	[tilespmem:$0x18100] =	vst v63  }
0x20: {  	_ =	swait.ge [sflag:s4], $0x4000  }
0x21: {  	s12 =	smov.u32 s14;
	[sflag:s4] =	ssyncset.done $0x0  }
0x22: {  	s9 =	sadd.s32 s11, s9;
	[sflag:s4] =	ssyncadd.s32 $0xFFFFC000  }
0x23: {  	[tilespmem:s3], [sflag:$0x1] =	stream.linear.gather [hbm4b:s9+s3], $0x100, $0x38;
	[tilespmem:$0x18100] =	vst v63  }
0x24: {  	_ =	swait.ge [sflag:s4], $0x100  }
0x25: {  	[sflag:s4] =	ssyncset.done $0x0  }
0x26: {  	[sflag:s4] =	ssyncadd.s32 $0xFFFFFF00  }
0x27: {  	[spmem:s2] =	stream.indirect.scatter.add.f32 [tilespmem:s5], [sflag:$0x1], $0x80, s10, s10, $0xb8;
	[tilespmem:$0x18100] =	vst v63  }
0x28: {  	_ =	swait.ge [sflag:s4], $0x4000  }
0x29: {  	s30 =	smul.u32 $0x2800, s1;
	[sflag:s4] =	ssyncset.done $0x0  }
0x2a: {  	[sflag:s4] =	ssyncadd.s32 $0xFFFFC000  }
0x2b: {  	s31 =	simm.s32 $0x1;
	s2 =	sadd.s32 s8, s30;
	[bflag:$0x0] =	sbarrier.arrive $0xFFFF  }
0x2c: {  	[hbm:s2], [sflag:s6] =	dma.local [spmem:s7], $0x2800  }
0x2d: {  	_ =	swait.ge [sflag:s31], $0x2800  }
0x2e: {  	[sflag:s31] =	ssyncset.done $0x0  }
0x2f: {  	[sflag:s31] =	ssyncadd.s32 $0xFFFFD800  }
0x30: {  	_ =	sfence.sel $0x180000  }
0x31: {  	[bflag:$0x0] =	sbarrier.arrive $0xFFFF  }
0x32: {  	p0 =	sne.s32 s1, $0x0;
	_ =	strace $0x90000047  }
0x33: {  	s0 =	sadd.s32 @!p0 $0x100000, s0;
	[bflag:$0x2] =	sbarrier.arrive $0xFFFF  }
0x34: {  	[sflag:s0] =	ssyncadd.tile.s32 @!p0 $0x1;
	_ =	shalt  }
.Lfunc_end2:
_tile_overlayer_lowered:
.L_overlay_start_2:
0x35: {  	(tag) =	ssettag $0x2  }
0x36: {  	s0 =	rddreg [dreg:$0x0];
	s2 =	stileid.u32  }
0x37: {  	s1 =	rddreg [dreg:$0x1];
	p0 =	sne.s32 s2, $0x0  }
0x38: {  	s3 =	rddreg [dreg:$0x2];
	[bflag:$0x3] =	sbarrier.arrive $0xFFFF;
	s2 =	simm.s32 @!p0 $0x1C01  }
0x39: {  	[timem:s3], [sflag:s2] =	dma.local @!p0 [hbm:s0], s1  }
0x3a: {  	s0 =	simm.s32 @!p0 $0x1  }
0x3b: {  	_ =	swait.ge @!p0 [sflag:s0], s1  }
0x3c: {  	s1 =	ssub.s32 @!p0 $0x0, s1;
	[sflag:s0] =	ssyncset.done @!p0 $0x0  }
0x3d: {  	[sflag:s0] =	ssyncadd.s32 @!p0 s1  }
0x3e: {  	[bflag:$0x3] =	sbarrier.arrive $0xFFFF  }
0x3f: {  	_ =	shalt  }

</sc_bundles>
